<compile_context>
chip_gen: v7x
topology: tpu7x:2x2x1
jax: 0.10.2.dev20260603
libtpu: 0.0.44.dev20260713+nightly
codegen_flags: <defaults>
</compile_context>

<pallas_src>
import functools

import jax
import jax.numpy as jnp
from jax import lax
from jax.experimental import pallas as pl
from jax.experimental.pallas import tpu as pltpu
from jax.experimental.pallas import tpu_sc as plsc

_VOCAB = 1000
_D = 64
_HIDDEN = 64
_BATCH = 16384

_INFO = plsc.get_sparse_core_info()
_NC = _INFO.num_cores
_NS = _INFO.num_subcores
_L = _INFO.num_lanes
_NW = _NC * _NS

_BPW = _BATCH // _NW
_CHUNK = 128
_NCHUNK = (2 * _BPW) // _CHUNK


def _compose_kernel(ids_hbm, table_hbm, out_hbm, idx_v, rows_v, acc_v, sems):
    wid = lax.axis_index("s") * _NC + lax.axis_index("c")
    base = wid * _BPW

    pltpu.sync_copy(ids_hbm.at[pl.ds(wid * _NCHUNK, _NCHUNK)], idx_v)

    copies = []
    for k in range(_NCHUNK):
        copies.append(
            pltpu.async_copy(table_hbm.at[idx_v.at[k]], rows_v.at[k], sems))
    for c in copies:
        c.wait()

    for c in range(_NCHUNK // 2):
        def loop(l, _, c=c):
            for j in range(_D // _L):
                sl = pl.ds(j * _L, _L)
                acc_v[c * _CHUNK + l, sl] = (
                    rows_v[2 * c, l, sl] + rows_v[2 * c + 1, l, sl])
            return 0
        lax.fori_loop(0, _CHUNK, loop, 0)

    pltpu.sync_copy(acc_v, out_hbm.at[pl.ds(base, _BPW), pl.ds(0, _D)])


_compose = pl.kernel(
    _compose_kernel,
    mesh=plsc.VectorSubcoreMesh(core_axis_name="c", subcore_axis_name="s"),
    out_type=jax.ShapeDtypeStruct((_BATCH, 2 * _D), jnp.float32),
    scratch_types=[
        pltpu.VMEM((_NCHUNK, _CHUNK), jnp.int32),
        pltpu.VMEM((_NCHUNK, _CHUNK, _D), jnp.float32),
        pltpu.VMEM((_BPW, _D), jnp.float32),
        pltpu.SemaphoreType.DMA,
    ],
    compiler_params=pltpu.CompilerParams(use_tc_tiling_on_sc=False),
)


_BLK = 2048


def _mlp_t_kernel(x_ref, w1t_ref, b1t_ref, w2t_ref, b2t_ref, o_ref):
    x = x_ref[:, : _D]
    ht = lax.dot_general(w1t_ref[...], x, (((1,), (1,)), ((), ())),
                         preferred_element_type=jnp.float32)
    ht = jnp.maximum(ht + b1t_ref[...], 0.0)
    lt = lax.dot_general(w2t_ref[...], ht, (((1,), (0,)), ((), ())),
                         preferred_element_type=jnp.float32)
    lt = lt + b2t_ref[...]
    lse = jnp.log(jnp.sum(jnp.exp(jnp.minimum(lt, 80.0)), axis=0,
                          keepdims=True))
    o_ref[...] = lt - lse


_mlp_t = pl.pallas_call(
    _mlp_t_kernel,
    grid=(_BATCH // _BLK,),
    in_specs=[
        pl.BlockSpec((_BLK, 2 * _D), lambda i: (i, 0)),
        pl.BlockSpec((_HIDDEN, _D), lambda i: (0, 0)),
        pl.BlockSpec((_HIDDEN, 1), lambda i: (0, 0)),
        pl.BlockSpec((_VOCAB, _HIDDEN), lambda i: (0, 0)),
        pl.BlockSpec((_VOCAB, 1), lambda i: (0, 0)),
    ],
    out_specs=pl.BlockSpec((_VOCAB, _BLK), lambda i: (0, i)),
    out_shape=jax.ShapeDtypeStruct((_VOCAB, _BATCH), jnp.float32),
    compiler_params=pltpu.CompilerParams(
        dimension_semantics=("parallel",)),
)


def kernel(concept_ids, embeddings, W1, b1, W2, b2):
    ids2d = (concept_ids.reshape(_BATCH // _CHUNK, _CHUNK, 2)
             .transpose(0, 2, 1).reshape(2 * _BATCH // _CHUNK, _CHUNK))
    composed = _compose(ids2d, embeddings)
    out_t = _mlp_t(composed, W1.T, b1.reshape(_HIDDEN, 1), W2.T,
                   b2.reshape(_VOCAB, 1))
    return out_t.T

# --- scband reference (transcript-rebuilt; emitter-appended) ---
"""Pipeline reference for scband-embedding-composition-model-42932493090972 (READ-ONLY COPY).

The authoritative reference and input builder live on the scoring server;
editing this copy changes nothing except your own understanding.
"""

import jax, jax.numpy as jnp
import numpy as np

VOCAB = 1000
EMBED_DIM = 64
HIDDEN = 64
BATCH = 16384

def setup_inputs(seed: int = 0) -> dict:
    key = jax.random.key(seed)
    k1, k2, k3, k4 = jax.random.split(key, 4)
    concept_ids = jax.random.randint(k1, (BATCH, 2), 0, VOCAB, dtype=jnp.int32)
    embeddings = jax.random.normal(k2, (VOCAB, EMBED_DIM), dtype=jnp.float32)
    W1 = jax.random.normal(k3, (EMBED_DIM, HIDDEN), dtype=jnp.float32) / np.sqrt(EMBED_DIM)
    b1 = jnp.zeros((HIDDEN,), dtype=jnp.float32)
    W2 = jax.random.normal(k4, (HIDDEN, VOCAB), dtype=jnp.float32) / np.sqrt(HIDDEN)
    b2 = jnp.zeros((VOCAB,), dtype=jnp.float32)
    return {"concept_ids": concept_ids, "embeddings": embeddings, "W1": W1, "b1": b1, "W2": W2, "b2": b2}

def reference(concept_ids, embeddings, W1, b1, W2, b2):
    # compose_embeddings: gather two concept embeddings and add (standard composition)
    emb1 = jnp.take(embeddings, concept_ids[:, 0], axis=0)
    emb2 = jnp.take(embeddings, concept_ids[:, 1], axis=0)
    composed = emb1 + emb2
    # decoder: Linear -> ReLU -> Linear
    h = jnp.maximum(composed @ W1 + b1, 0.0)
    logits = h @ W2 + b2
    # F.log_softmax(logits, dim=1)
    return jax.nn.log_softmax(logits, axis=1)

if __name__ == "__main__":
    import jax
    _d = setup_inputs()
    print(jax.jit(kernel)(*tuple(_d.values())))

</pallas_src>

<mosaic_0001>
#map = affine_map<(d0, d1) -> (0, 0)>
module attributes {stable_mosaic.version = 14 : i64} {
  func.func @_compose_kernel(%arg0: i32, %arg1: i32, %arg2: memref<256x128xi32, #tpu.memory_space<hbm>>, %arg3: memref<1000x64xf32, #tpu.memory_space<hbm>>, %arg4: memref<16384x128xf32, #tpu.memory_space<hbm>>, %arg5: memref<8x128xi32, #tpu.memory_space<vmem>>, %arg6: memref<8x128x64xf32, #tpu.memory_space<vmem>>, %arg7: memref<512x64xf32, #tpu.memory_space<vmem>>, %arg8: memref<!tpu.dma_semaphore, #tpu.memory_space<semaphore_mem>>) attributes {dimension_semantics = [#tpu.dimension_semantics<core_parallel>, #tpu.dimension_semantics<subcore_parallel>], iteration_bounds = array<i64: 2, 16>, scalar_prefetch = 0 : i64, scratch_operands = 4 : i64, tpu.core_type = #tpu.core_type<sc_vector_subcore>, window_params = [{transform_indices = #map}, {transform_indices = #map}, {transform_indices = #map}]} {
    %mul3A = arith.constant 2 : i32
    %mul3A_0 = arith.muli %arg1, %mul3A : i32
    %add3A = arith.addi %mul3A_0, %arg0 : i32
    %mul3A_1 = arith.constant 512 : i32
    %mul3A_2 = arith.muli %add3A, %mul3A_1 : i32
    %mul3A_3 = arith.constant 8 : i32
    %mul3A_4 = arith.muli %add3A, %mul3A_3 : i32
    "tpu.region"() ({
      %run_scoped3A = tpu.sem_alloc : memref<!tpu.dma_semaphore, #tpu.memory_space<semaphore_mem>>
      %dma_start3A_222 = arith.constant 0 : i32
      %dma_start3A_223 = tpu.memref_slice %arg2[%mul3A_4, %dma_start3A_222] : memref<256x128xi32, #tpu.memory_space<hbm>> -> memref<8x128xi32, #tpu.memory_space<hbm>>
      %dma_start3A_224 = arith.constant 0 : i32
      %dma_start3A_225 = tpu.memref_slice %arg2[%mul3A_4, %dma_start3A_224] : memref<256x128xi32, #tpu.memory_space<hbm>> -> memref<8x128xi32, #tpu.memory_space<hbm>>
      tpu.enqueue_dma source(%dma_start3A_225 : memref<8x128xi32, #tpu.memory_space<hbm>>) target(%arg5 : memref<8x128xi32, #tpu.memory_space<vmem>>) target_semaphore(%run_scoped3A : memref<!tpu.dma_semaphore, #tpu.memory_space<semaphore_mem>>)
      %dma_wait3A_226 = arith.constant 0 : i32
      %dma_wait3A_227 = tpu.memref_slice %arg2[%mul3A_4, %dma_wait3A_226] : memref<256x128xi32, #tpu.memory_space<hbm>> -> memref<8x128xi32, #tpu.memory_space<hbm>>
      %dma_wait3A_228 = arith.constant 0 : i32
      %dma_wait3A_229 = tpu.memref_slice %arg2[%mul3A_4, %dma_wait3A_228] : memref<256x128xi32, #tpu.memory_space<hbm>> -> memref<8x128xi32, #tpu.memory_space<hbm>>
      tpu.wait_dma2 semaphore(%run_scoped3A : memref<!tpu.dma_semaphore, #tpu.memory_space<semaphore_mem>>) src(%dma_wait3A_229 : memref<8x128xi32, #tpu.memory_space<hbm>>) dst(%arg5 : memref<8x128xi32, #tpu.memory_space<vmem>>)
      tpu.yield
    }) : () -> ()
    %dma_start3A = arith.constant 0 : i32
    %dma_start3A_5 = arith.constant 0 : i32
    %dma_start3A_6 = arith.constant 0 : i32
    %dma_start3A_7 = arith.constant 0 : i32
    %dma_start3A_8 = tpu.memref_slice %arg6[%dma_start3A_5, %dma_start3A_6, %dma_start3A_7] : memref<8x128x64xf32, #tpu.memory_space<vmem>> -> memref<1x128x64xf32, #tpu.memory_space<vmem>>
    %dma_start3A_9 = tpu.memref_squeeze %dma_start3A_8 : memref<1x128x64xf32, #tpu.memory_space<vmem>> -> memref<128x64xf32, #tpu.memory_space<vmem>>
    %dma_start3A_10 = arith.constant 0 : i32
    %dma_start3A_11 = tpu.memref_slice %arg5[%dma_start3A, %dma_start3A_10] : memref<8x128xi32, #tpu.memory_space<vmem>> -> memref<1x128xi32, #tpu.memory_space<vmem>>
    %dma_start3A_12 = tpu.memref_squeeze %dma_start3A_11 : memref<1x128xi32, #tpu.memory_space<vmem>> -> memref<128xi32, #tpu.memory_space<vmem>>
    %dma_start3A_13 = arith.constant 0 : i32
    %dma_start3A_14 = arith.constant 0 : i32
    %dma_start3A_15 = tpu.memref_slice %arg3[%dma_start3A_13, %dma_start3A_14] : memref<1000x64xf32, #tpu.memory_space<hbm>> -> memref<1000x64xf32, #tpu.memory_space<hbm>>
    tpu.enqueue_indirect_dma source(%dma_start3A_15 : memref<1000x64xf32, #tpu.memory_space<hbm>>) target(%dma_start3A_9 : memref<128x64xf32, #tpu.memory_space<vmem>>) offsets(%dma_start3A_12 : memref<128xi32, #tpu.memory_space<vmem>>) semaphore(%arg8 : memref<!tpu.dma_semaphore, #tpu.memory_space<semaphore_mem>>)
    %dma_start3A_16 = arith.constant 1 : i32
    %dma_start3A_17 = arith.constant 1 : i32
    %dma_start3A_18 = arith.constant 0 : i32
    %dma_start3A_19 = arith.constant 0 : i32
    %dma_start3A_20 = tpu.memref_slice %arg6[%dma_start3A_17, %dma_start3A_18, %dma_start3A_19] : memref<8x128x64xf32, #tpu.memory_space<vmem>> -> memref<1x128x64xf32, #tpu.memory_space<vmem>>
    %dma_start3A_21 = tpu.memref_squeeze %dma_start3A_20 : memref<1x128x64xf32, #tpu.memory_space<vmem>> -> memref<128x64xf32, #tpu.memory_space<vmem>>
    %dma_start3A_22 = arith.constant 0 : i32
    %dma_start3A_23 = tpu.memref_slice %arg5[%dma_start3A_16, %dma_start3A_22] : memref<8x128xi32, #tpu.memory_space<vmem>> -> memref<1x128xi32, #tpu.memory_space<vmem>>
    %dma_start3A_24 = tpu.memref_squeeze %dma_start3A_23 : memref<1x128xi32, #tpu.memory_space<vmem>> -> memref<128xi32, #tpu.memory_space<vmem>>
    %dma_start3A_25 = arith.constant 0 : i32
    %dma_start3A_26 = arith.constant 0 : i32
    %dma_start3A_27 = tpu.memref_slice %arg3[%dma_start3A_25, %dma_start3A_26] : memref<1000x64xf32, #tpu.memory_space<hbm>> -> memref<1000x64xf32, #tpu.memory_space<hbm>>
    tpu.enqueue_indirect_dma source(%dma_start3A_27 : memref<1000x64xf32, #tpu.memory_space<hbm>>) target(%dma_start3A_21 : memref<128x64xf32, #tpu.memory_space<vmem>>) offsets(%dma_start3A_24 : memref<128xi32, #tpu.memory_space<vmem>>) semaphore(%arg8 : memref<!tpu.dma_semaphore, #tpu.memory_space<semaphore_mem>>)
    %dma_start3A_28 = arith.constant 2 : i32
    %dma_start3A_29 = arith.constant 2 : i32
    %dma_start3A_30 = arith.constant 0 : i32
    %dma_start3A_31 = arith.constant 0 : i32
    %dma_start3A_32 = tpu.memref_slice %arg6[%dma_start3A_29, %dma_start3A_30, %dma_start3A_31] : memref<8x128x64xf32, #tpu.memory_space<vmem>> -> memref<1x128x64xf32, #tpu.memory_space<vmem>>
    %dma_start3A_33 = tpu.memref_squeeze %dma_start3A_32 : memref<1x128x64xf32, #tpu.memory_space<vmem>> -> memref<128x64xf32, #tpu.memory_space<vmem>>
    %dma_start3A_34 = arith.constant 0 : i32
    %dma_start3A_35 = tpu.memref_slice %arg5[%dma_start3A_28, %dma_start3A_34] : memref<8x128xi32, #tpu.memory_space<vmem>> -> memref<1x128xi32, #tpu.memory_space<vmem>>
    %dma_start3A_36 = tpu.memref_squeeze %dma_start3A_35 : memref<1x128xi32, #tpu.memory_space<vmem>> -> memref<128xi32, #tpu.memory_space<vmem>>
    %dma_start3A_37 = arith.constant 0 : i32
    %dma_start3A_38 = arith.constant 0 : i32
    %dma_start3A_39 = tpu.memref_slice %arg3[%dma_start3A_37, %dma_start3A_38] : memref<1000x64xf32, #tpu.memory_space<hbm>> -> memref<1000x64xf32, #tpu.memory_space<hbm>>
    tpu.enqueue_indirect_dma source(%dma_start3A_39 : memref<1000x64xf32, #tpu.memory_space<hbm>>) target(%dma_start3A_33 : memref<128x64xf32, #tpu.memory_space<vmem>>) offsets(%dma_start3A_36 : memref<128xi32, #tpu.memory_space<vmem>>) semaphore(%arg8 : memref<!tpu.dma_semaphore, #tpu.memory_space<semaphore_mem>>)
    %dma_start3A_40 = arith.constant 3 : i32
    %dma_start3A_41 = arith.constant 3 : i32
    %dma_start3A_42 = arith.constant 0 : i32
    %dma_start3A_43 = arith.constant 0 : i32
    %dma_start3A_44 = tpu.memref_slice %arg6[%dma_start3A_41, %dma_start3A_42, %dma_start3A_43] : memref<8x128x64xf32, #tpu.memory_space<vmem>> -> memref<1x128x64xf32, #tpu.memory_space<vmem>>
    %dma_start3A_45 = tpu.memref_squeeze %dma_start3A_44 : memref<1x128x64xf32, #tpu.memory_space<vmem>> -> memref<128x64xf32, #tpu.memory_space<vmem>>
    %dma_start3A_46 = arith.constant 0 : i32
    %dma_start3A_47 = tpu.memref_slice %arg5[%dma_start3A_40, %dma_start3A_46] : memref<8x128xi32, #tpu.memory_space<vmem>> -> memref<1x128xi32, #tpu.memory_space<vmem>>
    %dma_start3A_48 = tpu.memref_squeeze %dma_start3A_47 : memref<1x128xi32, #tpu.memory_space<vmem>> -> memref<128xi32, #tpu.memory_space<vmem>>
    %dma_start3A_49 = arith.constant 0 : i32
    %dma_start3A_50 = arith.constant 0 : i32
    %dma_start3A_51 = tpu.memref_slice %arg3[%dma_start3A_49, %dma_start3A_50] : memref<1000x64xf32, #tpu.memory_space<hbm>> -> memref<1000x64xf32, #tpu.memory_space<hbm>>
    tpu.enqueue_indirect_dma source(%dma_start3A_51 : memref<1000x64xf32, #tpu.memory_space<hbm>>) target(%dma_start3A_45 : memref<128x64xf32, #tpu.memory_space<vmem>>) offsets(%dma_start3A_48 : memref<128xi32, #tpu.memory_space<vmem>>) semaphore(%arg8 : memref<!tpu.dma_semaphore, #tpu.memory_space<semaphore_mem>>)
    %dma_start3A_52 = arith.constant 4 : i32
    %dma_start3A_53 = arith.constant 4 : i32
    %dma_start3A_54 = arith.constant 0 : i32
    %dma_start3A_55 = arith.constant 0 : i32
    %dma_start3A_56 = tpu.memref_slice %arg6[%dma_start3A_53, %dma_start3A_54, %dma_start3A_55] : memref<8x128x64xf32, #tpu.memory_space<vmem>> -> memref<1x128x64xf32, #tpu.memory_space<vmem>>
    %dma_start3A_57 = tpu.memref_squeeze %dma_start3A_56 : memref<1x128x64xf32, #tpu.memory_space<vmem>> -> memref<128x64xf32, #tpu.memory_space<vmem>>
    %dma_start3A_58 = arith.constant 0 : i32
    %dma_start3A_59 = tpu.memref_slice %arg5[%dma_start3A_52, %dma_start3A_58] : memref<8x128xi32, #tpu.memory_space<vmem>> -> memref<1x128xi32, #tpu.memory_space<vmem>>
    %dma_start3A_60 = tpu.memref_squeeze %dma_start3A_59 : memref<1x128xi32, #tpu.memory_space<vmem>> -> memref<128xi32, #tpu.memory_space<vmem>>
    %dma_start3A_61 = arith.constant 0 : i32
    %dma_start3A_62 = arith.constant 0 : i32
    %dma_start3A_63 = tpu.memref_slice %arg3[%dma_start3A_61, %dma_start3A_62] : memref<1000x64xf32, #tpu.memory_space<hbm>> -> memref<1000x64xf32, #tpu.memory_space<hbm>>
    tpu.enqueue_indirect_dma source(%dma_start3A_63 : memref<1000x64xf32, #tpu.memory_space<hbm>>) target(%dma_start3A_57 : memref<128x64xf32, #tpu.memory_space<vmem>>) offsets(%dma_start3A_60 : memref<128xi32, #tpu.memory_space<vmem>>) semaphore(%arg8 : memref<!tpu.dma_semaphore, #tpu.memory_space<semaphore_mem>>)
    %dma_start3A_64 = arith.constant 5 : i32
    %dma_start3A_65 = arith.constant 5 : i32
    %dma_start3A_66 = arith.constant 0 : i32
    %dma_start3A_67 = arith.constant 0 : i32
    %dma_start3A_68 = tpu.memref_slice %arg6[%dma_start3A_65, %dma_start3A_66, %dma_start3A_67] : memref<8x128x64xf32, #tpu.memory_space<vmem>> -> memref<1x128x64xf32, #tpu.memory_space<vmem>>
    %dma_start3A_69 = tpu.memref_squeeze %dma_start3A_68 : memref<1x128x64xf32, #tpu.memory_space<vmem>> -> memref<128x64xf32, #tpu.memory_space<vmem>>
    %dma_start3A_70 = arith.constant 0 : i32
    %dma_start3A_71 = tpu.memref_slice %arg5[%dma_start3A_64, %dma_start3A_70] : memref<8x128xi32, #tpu.memory_space<vmem>> -> memref<1x128xi32, #tpu.memory_space<vmem>>
    %dma_start3A_72 = tpu.memref_squeeze %dma_start3A_71 : memref<1x128xi32, #tpu.memory_space<vmem>> -> memref<128xi32, #tpu.memory_space<vmem>>
    %dma_start3A_73 = arith.constant 0 : i32
    %dma_start3A_74 = arith.constant 0 : i32
    %dma_start3A_75 = tpu.memref_slice %arg3[%dma_start3A_73, %dma_start3A_74] : memref<1000x64xf32, #tpu.memory_space<hbm>> -> memref<1000x64xf32, #tpu.memory_space<hbm>>
    tpu.enqueue_indirect_dma source(%dma_start3A_75 : memref<1000x64xf32, #tpu.memory_space<hbm>>) target(%dma_start3A_69 : memref<128x64xf32, #tpu.memory_space<vmem>>) offsets(%dma_start3A_72 : memref<128xi32, #tpu.memory_space<vmem>>) semaphore(%arg8 : memref<!tpu.dma_semaphore, #tpu.memory_space<semaphore_mem>>)
    %dma_start3A_76 = arith.constant 6 : i32
    %dma_start3A_77 = arith.constant 6 : i32
    %dma_start3A_78 = arith.constant 0 : i32
    %dma_start3A_79 = arith.constant 0 : i32
    %dma_start3A_80 = tpu.memref_slice %arg6[%dma_start3A_77, %dma_start3A_78, %dma_start3A_79] : memref<8x128x64xf32, #tpu.memory_space<vmem>> -> memref<1x128x64xf32, #tpu.memory_space<vmem>>
    %dma_start3A_81 = tpu.memref_squeeze %dma_start3A_80 : memref<1x128x64xf32, #tpu.memory_space<vmem>> -> memref<128x64xf32, #tpu.memory_space<vmem>>
    %dma_start3A_82 = arith.constant 0 : i32
    %dma_start3A_83 = tpu.memref_slice %arg5[%dma_start3A_76, %dma_start3A_82] : memref<8x128xi32, #tpu.memory_space<vmem>> -> memref<1x128xi32, #tpu.memory_space<vmem>>
    %dma_start3A_84 = tpu.memref_squeeze %dma_start3A_83 : memref<1x128xi32, #tpu.memory_space<vmem>> -> memref<128xi32, #tpu.memory_space<vmem>>
    %dma_start3A_85 = arith.constant 0 : i32
    %dma_start3A_86 = arith.constant 0 : i32
    %dma_start3A_87 = tpu.memref_slice %arg3[%dma_start3A_85, %dma_start3A_86] : memref<1000x64xf32, #tpu.memory_space<hbm>> -> memref<1000x64xf32, #tpu.memory_space<hbm>>
    tpu.enqueue_indirect_dma source(%dma_start3A_87 : memref<1000x64xf32, #tpu.memory_space<hbm>>) target(%dma_start3A_81 : memref<128x64xf32, #tpu.memory_space<vmem>>) offsets(%dma_start3A_84 : memref<128xi32, #tpu.memory_space<vmem>>) semaphore(%arg8 : memref<!tpu.dma_semaphore, #tpu.memory_space<semaphore_mem>>)
    %dma_start3A_88 = arith.constant 7 : i32
    %dma_start3A_89 = arith.constant 7 : i32
    %dma_start3A_90 = arith.constant 0 : i32
    %dma_start3A_91 = arith.constant 0 : i32
    %dma_start3A_92 = tpu.memref_slice %arg6[%dma_start3A_89, %dma_start3A_90, %dma_start3A_91] : memref<8x128x64xf32, #tpu.memory_space<vmem>> -> memref<1x128x64xf32, #tpu.memory_space<vmem>>
    %dma_start3A_93 = tpu.memref_squeeze %dma_start3A_92 : memref<1x128x64xf32, #tpu.memory_space<vmem>> -> memref<128x64xf32, #tpu.memory_space<vmem>>
    %dma_start3A_94 = arith.constant 0 : i32
    %dma_start3A_95 = tpu.memref_slice %arg5[%dma_start3A_88, %dma_start3A_94] : memref<8x128xi32, #tpu.memory_space<vmem>> -> memref<1x128xi32, #tpu.memory_space<vmem>>
    %dma_start3A_96 = tpu.memref_squeeze %dma_start3A_95 : memref<1x128xi32, #tpu.memory_space<vmem>> -> memref<128xi32, #tpu.memory_space<vmem>>
    %dma_start3A_97 = arith.constant 0 : i32
    %dma_start3A_98 = arith.constant 0 : i32
    %dma_start3A_99 = tpu.memref_slice %arg3[%dma_start3A_97, %dma_start3A_98] : memref<1000x64xf32, #tpu.memory_space<hbm>> -> memref<1000x64xf32, #tpu.memory_space<hbm>>
    tpu.enqueue_indirect_dma source(%dma_start3A_99 : memref<1000x64xf32, #tpu.memory_space<hbm>>) target(%dma_start3A_93 : memref<128x64xf32, #tpu.memory_space<vmem>>) offsets(%dma_start3A_96 : memref<128xi32, #tpu.memory_space<vmem>>) semaphore(%arg8 : memref<!tpu.dma_semaphore, #tpu.memory_space<semaphore_mem>>)
    %dma_wait3A = arith.constant 0 : i32
    %dma_wait3A_100 = arith.constant 0 : i32
    %dma_wait3A_101 = arith.constant 0 : i32
    %dma_wait3A_102 = arith.constant 0 : i32
    %dma_wait3A_103 = tpu.memref_slice %arg6[%dma_wait3A_100, %dma_wait3A_101, %dma_wait3A_102] : memref<8x128x64xf32, #tpu.memory_space<vmem>> -> memref<1x128x64xf32, #tpu.memory_space<vmem>>
    %dma_wait3A_104 = tpu.memref_squeeze %dma_wait3A_103 : memref<1x128x64xf32, #tpu.memory_space<vmem>> -> memref<128x64xf32, #tpu.memory_space<vmem>>
    %dma_wait3A_105 = arith.constant 0 : i32
    %dma_wait3A_106 = tpu.memref_slice %arg5[%dma_wait3A, %dma_wait3A_105] : memref<8x128xi32, #tpu.memory_space<vmem>> -> memref<1x128xi32, #tpu.memory_space<vmem>>
    %dma_wait3A_107 = tpu.memref_squeeze %dma_wait3A_106 : memref<1x128xi32, #tpu.memory_space<vmem>> -> memref<128xi32, #tpu.memory_space<vmem>>
    %dma_wait3A_108 = arith.constant 0 : i32
    %dma_wait3A_109 = arith.constant 0 : i32
    %dma_wait3A_110 = tpu.memref_slice %arg3[%dma_wait3A_108, %dma_wait3A_109] : memref<1000x64xf32, #tpu.memory_space<hbm>> -> memref<1000x64xf32, #tpu.memory_space<hbm>>
    tpu.wait_indirect_dma semaphore(%arg8 : memref<!tpu.dma_semaphore, #tpu.memory_space<semaphore_mem>>) src(%dma_wait3A_110 : memref<1000x64xf32, #tpu.memory_space<hbm>>) dst(%dma_wait3A_104 : memref<128x64xf32, #tpu.memory_space<vmem>>)
    %dma_wait3A_111 = arith.constant 1 : i32
    %dma_wait3A_112 = arith.constant 1 : i32
    %dma_wait3A_113 = arith.constant 0 : i32
    %dma_wait3A_114 = arith.constant 0 : i32
    %dma_wait3A_115 = tpu.memref_slice %arg6[%dma_wait3A_112, %dma_wait3A_113, %dma_wait3A_114] : memref<8x128x64xf32, #tpu.memory_space<vmem>> -> memref<1x128x64xf32, #tpu.memory_space<vmem>>
    %dma_wait3A_116 = tpu.memref_squeeze %dma_wait3A_115 : memref<1x128x64xf32, #tpu.memory_space<vmem>> -> memref<128x64xf32, #tpu.memory_space<vmem>>
    %dma_wait3A_117 = arith.constant 0 : i32
    %dma_wait3A_118 = tpu.memref_slice %arg5[%dma_wait3A_111, %dma_wait3A_117] : memref<8x128xi32, #tpu.memory_space<vmem>> -> memref<1x128xi32, #tpu.memory_space<vmem>>
    %dma_wait3A_119 = tpu.memref_squeeze %dma_wait3A_118 : memref<1x128xi32, #tpu.memory_space<vmem>> -> memref<128xi32, #tpu.memory_space<vmem>>
    %dma_wait3A_120 = arith.constant 0 : i32
    %dma_wait3A_121 = arith.constant 0 : i32
    %dma_wait3A_122 = tpu.memref_slice %arg3[%dma_wait3A_120, %dma_wait3A_121] : memref<1000x64xf32, #tpu.memory_space<hbm>> -> memref<1000x64xf32, #tpu.memory_space<hbm>>
    tpu.wait_indirect_dma semaphore(%arg8 : memref<!tpu.dma_semaphore, #tpu.memory_space<semaphore_mem>>) src(%dma_wait3A_122 : memref<1000x64xf32, #tpu.memory_space<hbm>>) dst(%dma_wait3A_116 : memref<128x64xf32, #tpu.memory_space<vmem>>)
    %dma_wait3A_123 = arith.constant 2 : i32
    %dma_wait3A_124 = arith.constant 2 : i32
    %dma_wait3A_125 = arith.constant 0 : i32
    %dma_wait3A_126 = arith.constant 0 : i32
    %dma_wait3A_127 = tpu.memref_slice %arg6[%dma_wait3A_124, %dma_wait3A_125, %dma_wait3A_126] : memref<8x128x64xf32, #tpu.memory_space<vmem>> -> memref<1x128x64xf32, #tpu.memory_space<vmem>>
    %dma_wait3A_128 = tpu.memref_squeeze %dma_wait3A_127 : memref<1x128x64xf32, #tpu.memory_space<vmem>> -> memref<128x64xf32, #tpu.memory_space<vmem>>
    %dma_wait3A_129 = arith.constant 0 : i32
    %dma_wait3A_130 = tpu.memref_slice %arg5[%dma_wait3A_123, %dma_wait3A_129] : memref<8x128xi32, #tpu.memory_space<vmem>> -> memref<1x128xi32, #tpu.memory_space<vmem>>
    %dma_wait3A_131 = tpu.memref_squeeze %dma_wait3A_130 : memref<1x128xi32, #tpu.memory_space<vmem>> -> memref<128xi32, #tpu.memory_space<vmem>>
    %dma_wait3A_132 = arith.constant 0 : i32
    %dma_wait3A_133 = arith.constant 0 : i32
    %dma_wait3A_134 = tpu.memref_slice %arg3[%dma_wait3A_132, %dma_wait3A_133] : memref<1000x64xf32, #tpu.memory_space<hbm>> -> memref<1000x64xf32, #tpu.memory_space<hbm>>
    tpu.wait_indirect_dma semaphore(%arg8 : memref<!tpu.dma_semaphore, #tpu.memory_space<semaphore_mem>>) src(%dma_wait3A_134 : memref<1000x64xf32, #tpu.memory_space<hbm>>) dst(%dma_wait3A_128 : memref<128x64xf32, #tpu.memory_space<vmem>>)
    %dma_wait3A_135 = arith.constant 3 : i32
    %dma_wait3A_136 = arith.constant 3 : i32
    %dma_wait3A_137 = arith.constant 0 : i32
    %dma_wait3A_138 = arith.constant 0 : i32
    %dma_wait3A_139 = tpu.memref_slice %arg6[%dma_wait3A_136, %dma_wait3A_137, %dma_wait3A_138] : memref<8x128x64xf32, #tpu.memory_space<vmem>> -> memref<1x128x64xf32, #tpu.memory_space<vmem>>
    %dma_wait3A_140 = tpu.memref_squeeze %dma_wait3A_139 : memref<1x128x64xf32, #tpu.memory_space<vmem>> -> memref<128x64xf32, #tpu.memory_space<vmem>>
    %dma_wait3A_141 = arith.constant 0 : i32
    %dma_wait3A_142 = tpu.memref_slice %arg5[%dma_wait3A_135, %dma_wait3A_141] : memref<8x128xi32, #tpu.memory_space<vmem>> -> memref<1x128xi32, #tpu.memory_space<vmem>>
    %dma_wait3A_143 = tpu.memref_squeeze %dma_wait3A_142 : memref<1x128xi32, #tpu.memory_space<vmem>> -> memref<128xi32, #tpu.memory_space<vmem>>
    %dma_wait3A_144 = arith.constant 0 : i32
    %dma_wait3A_145 = arith.constant 0 : i32
    %dma_wait3A_146 = tpu.memref_slice %arg3[%dma_wait3A_144, %dma_wait3A_145] : memref<1000x64xf32, #tpu.memory_space<hbm>> -> memref<1000x64xf32, #tpu.memory_space<hbm>>
    tpu.wait_indirect_dma semaphore(%arg8 : memref<!tpu.dma_semaphore, #tpu.memory_space<semaphore_mem>>) src(%dma_wait3A_146 : memref<1000x64xf32, #tpu.memory_space<hbm>>) dst(%dma_wait3A_140 : memref<128x64xf32, #tpu.memory_space<vmem>>)
    %dma_wait3A_147 = arith.constant 4 : i32
    %dma_wait3A_148 = arith.constant 4 : i32
    %dma_wait3A_149 = arith.constant 0 : i32
    %dma_wait3A_150 = arith.constant 0 : i32
    %dma_wait3A_151 = tpu.memref_slice %arg6[%dma_wait3A_148, %dma_wait3A_149, %dma_wait3A_150] : memref<8x128x64xf32, #tpu.memory_space<vmem>> -> memref<1x128x64xf32, #tpu.memory_space<vmem>>
    %dma_wait3A_152 = tpu.memref_squeeze %dma_wait3A_151 : memref<1x128x64xf32, #tpu.memory_space<vmem>> -> memref<128x64xf32, #tpu.memory_space<vmem>>
    %dma_wait3A_153 = arith.constant 0 : i32
    %dma_wait3A_154 = tpu.memref_slice %arg5[%dma_wait3A_147, %dma_wait3A_153] : memref<8x128xi32, #tpu.memory_space<vmem>> -> memref<1x128xi32, #tpu.memory_space<vmem>>
    %dma_wait3A_155 = tpu.memref_squeeze %dma_wait3A_154 : memref<1x128xi32, #tpu.memory_space<vmem>> -> memref<128xi32, #tpu.memory_space<vmem>>
    %dma_wait3A_156 = arith.constant 0 : i32
    %dma_wait3A_157 = arith.constant 0 : i32
    %dma_wait3A_158 = tpu.memref_slice %arg3[%dma_wait3A_156, %dma_wait3A_157] : memref<1000x64xf32, #tpu.memory_space<hbm>> -> memref<1000x64xf32, #tpu.memory_space<hbm>>
    tpu.wait_indirect_dma semaphore(%arg8 : memref<!tpu.dma_semaphore, #tpu.memory_space<semaphore_mem>>) src(%dma_wait3A_158 : memref<1000x64xf32, #tpu.memory_space<hbm>>) dst(%dma_wait3A_152 : memref<128x64xf32, #tpu.memory_space<vmem>>)
    %dma_wait3A_159 = arith.constant 5 : i32
    %dma_wait3A_160 = arith.constant 5 : i32
    %dma_wait3A_161 = arith.constant 0 : i32
    %dma_wait3A_162 = arith.constant 0 : i32
    %dma_wait3A_163 = tpu.memref_slice %arg6[%dma_wait3A_160, %dma_wait3A_161, %dma_wait3A_162] : memref<8x128x64xf32, #tpu.memory_space<vmem>> -> memref<1x128x64xf32, #tpu.memory_space<vmem>>
    %dma_wait3A_164 = tpu.memref_squeeze %dma_wait3A_163 : memref<1x128x64xf32, #tpu.memory_space<vmem>> -> memref<128x64xf32, #tpu.memory_space<vmem>>
    %dma_wait3A_165 = arith.constant 0 : i32
    %dma_wait3A_166 = tpu.memref_slice %arg5[%dma_wait3A_159, %dma_wait3A_165] : memref<8x128xi32, #tpu.memory_space<vmem>> -> memref<1x128xi32, #tpu.memory_space<vmem>>
    %dma_wait3A_167 = tpu.memref_squeeze %dma_wait3A_166 : memref<1x128xi32, #tpu.memory_space<vmem>> -> memref<128xi32, #tpu.memory_space<vmem>>
    %dma_wait3A_168 = arith.constant 0 : i32
    %dma_wait3A_169 = arith.constant 0 : i32
    %dma_wait3A_170 = tpu.memref_slice %arg3[%dma_wait3A_168, %dma_wait3A_169] : memref<1000x64xf32, #tpu.memory_space<hbm>> -> memref<1000x64xf32, #tpu.memory_space<hbm>>
    tpu.wait_indirect_dma semaphore(%arg8 : memref<!tpu.dma_semaphore, #tpu.memory_space<semaphore_mem>>) src(%dma_wait3A_170 : memref<1000x64xf32, #tpu.memory_space<hbm>>) dst(%dma_wait3A_164 : memref<128x64xf32, #tpu.memory_space<vmem>>)
    %dma_wait3A_171 = arith.constant 6 : i32
    %dma_wait3A_172 = arith.constant 6 : i32
    %dma_wait3A_173 = arith.constant 0 : i32
    %dma_wait3A_174 = arith.constant 0 : i32
    %dma_wait3A_175 = tpu.memref_slice %arg6[%dma_wait3A_172, %dma_wait3A_173, %dma_wait3A_174] : memref<8x128x64xf32, #tpu.memory_space<vmem>> -> memref<1x128x64xf32, #tpu.memory_space<vmem>>
    %dma_wait3A_176 = tpu.memref_squeeze %dma_wait3A_175 : memref<1x128x64xf32, #tpu.memory_space<vmem>> -> memref<128x64xf32, #tpu.memory_space<vmem>>
    %dma_wait3A_177 = arith.constant 0 : i32
    %dma_wait3A_178 = tpu.memref_slice %arg5[%dma_wait3A_171, %dma_wait3A_177] : memref<8x128xi32, #tpu.memory_space<vmem>> -> memref<1x128xi32, #tpu.memory_space<vmem>>
    %dma_wait3A_179 = tpu.memref_squeeze %dma_wait3A_178 : memref<1x128xi32, #tpu.memory_space<vmem>> -> memref<128xi32, #tpu.memory_space<vmem>>
    %dma_wait3A_180 = arith.constant 0 : i32
    %dma_wait3A_181 = arith.constant 0 : i32
    %dma_wait3A_182 = tpu.memref_slice %arg3[%dma_wait3A_180, %dma_wait3A_181] : memref<1000x64xf32, #tpu.memory_space<hbm>> -> memref<1000x64xf32, #tpu.memory_space<hbm>>
    tpu.wait_indirect_dma semaphore(%arg8 : memref<!tpu.dma_semaphore, #tpu.memory_space<semaphore_mem>>) src(%dma_wait3A_182 : memref<1000x64xf32, #tpu.memory_space<hbm>>) dst(%dma_wait3A_176 : memref<128x64xf32, #tpu.memory_space<vmem>>)
    %dma_wait3A_183 = arith.constant 7 : i32
    %dma_wait3A_184 = arith.constant 7 : i32
    %dma_wait3A_185 = arith.constant 0 : i32
    %dma_wait3A_186 = arith.constant 0 : i32
    %dma_wait3A_187 = tpu.memref_slice %arg6[%dma_wait3A_184, %dma_wait3A_185, %dma_wait3A_186] : memref<8x128x64xf32, #tpu.memory_space<vmem>> -> memref<1x128x64xf32, #tpu.memory_space<vmem>>
    %dma_wait3A_188 = tpu.memref_squeeze %dma_wait3A_187 : memref<1x128x64xf32, #tpu.memory_space<vmem>> -> memref<128x64xf32, #tpu.memory_space<vmem>>
    %dma_wait3A_189 = arith.constant 0 : i32
    %dma_wait3A_190 = tpu.memref_slice %arg5[%dma_wait3A_183, %dma_wait3A_189] : memref<8x128xi32, #tpu.memory_space<vmem>> -> memref<1x128xi32, #tpu.memory_space<vmem>>
    %dma_wait3A_191 = tpu.memref_squeeze %dma_wait3A_190 : memref<1x128xi32, #tpu.memory_space<vmem>> -> memref<128xi32, #tpu.memory_space<vmem>>
    %dma_wait3A_192 = arith.constant 0 : i32
    %dma_wait3A_193 = arith.constant 0 : i32
    %dma_wait3A_194 = tpu.memref_slice %arg3[%dma_wait3A_192, %dma_wait3A_193] : memref<1000x64xf32, #tpu.memory_space<hbm>> -> memref<1000x64xf32, #tpu.memory_space<hbm>>
    tpu.wait_indirect_dma semaphore(%arg8 : memref<!tpu.dma_semaphore, #tpu.memory_space<semaphore_mem>>) src(%dma_wait3A_194 : memref<1000x64xf32, #tpu.memory_space<hbm>>) dst(%dma_wait3A_188 : memref<128x64xf32, #tpu.memory_space<vmem>>)
    %scan3A = arith.constant 0 : i32
    %scan3A_195 = arith.constant 0 : i32
    %scan3A_196 = arith.constant 128 : i32
    %scan3A_197 = arith.addi %scan3A_195, %scan3A_196 : i32
    %scan3A_198 = arith.constant 1 : i32
    %scan3A_199 = scf.for %scan3A_222 = %scan3A_195 to %scan3A_197 step %scan3A_198 iter_args(%scan3A_223 = %scan3A) -> (i32)  : i32 {
      %get3A = arith.constant 0 : i32
      %get3A_224 = arith.index_cast %get3A : i32 to index
      %get3A_225 = arith.index_cast %scan3A_222 : i32 to index
      %get3A_226 = arith.constant 0 : index
      %get3A_227 = tpu.vector_load %arg6[%get3A_224, %get3A_225, %get3A_226] {strides = array<i32>} : memref<8x128x64xf32, #tpu.memory_space<vmem>>, vector<1x1x16xf32>,
      %get3A_228 = vector.shape_cast %get3A_227 : vector<1x1x16xf32> to vector<16xf32>
      %get3A_229 = arith.constant 1 : i32
      %get3A_230 = arith.index_cast %get3A_229 : i32 to index
      %get3A_231 = arith.index_cast %scan3A_222 : i32 to index
      %get3A_232 = arith.constant 0 : index
      %get3A_233 = tpu.vector_load %arg6[%get3A_230, %get3A_231, %get3A_232] {strides = array<i32>} : memref<8x128x64xf32, #tpu.memory_space<vmem>>, vector<1x1x16xf32>,
      %get3A_234 = vector.shape_cast %get3A_233 : vector<1x1x16xf32> to vector<16xf32>
      %add3A_235 = arith.addf %get3A_228, %get3A_234 : vector<16xf32>
      %add3A_236 = arith.constant 0 : i32
      %add3A_237 = arith.addi %add3A_236, %scan3A_222 : i32
      %swap3A = arith.index_cast %add3A_237 : i32 to index
      %swap3A_238 = arith.constant 0 : index
      %swap3A_239 = tpu.vector_load %arg7[%swap3A, %swap3A_238] {strides = array<i32>} : memref<512x64xf32, #tpu.memory_space<vmem>>, vector<1x16xf32>,
      %swap3A_240 = vector.shape_cast %swap3A_239 : vector<1x16xf32> to vector<16xf32>
      %swap3A_241 = vector.shape_cast %add3A_235 : vector<16xf32> to vector<1x16xf32>
      tpu.vector_store %arg7[%swap3A, %swap3A_238], %swap3A_241 {strides = array<i32>} : memref<512x64xf32, #tpu.memory_space<vmem>>, vector<1x16xf32>,
      %get3A_242 = arith.constant 0 : i32
      %get3A_243 = arith.index_cast %get3A_242 : i32 to index
      %get3A_244 = arith.index_cast %scan3A_222 : i32 to index
      %get3A_245 = arith.constant 16 : index
      %get3A_246 = tpu.vector_load %arg6[%get3A_243, %get3A_244, %get3A_245] {strides = array<i32>} : memref<8x128x64xf32, #tpu.memory_space<vmem>>, vector<1x1x16xf32>,
      %get3A_247 = vector.shape_cast %get3A_246 : vector<1x1x16xf32> to vector<16xf32>
      %get3A_248 = arith.constant 1 : i32
      %get3A_249 = arith.index_cast %get3A_248 : i32 to index
      %get3A_250 = arith.index_cast %scan3A_222 : i32 to index
      %get3A_251 = arith.constant 16 : index
      %get3A_252 = tpu.vector_load %arg6[%get3A_249, %get3A_250, %get3A_251] {strides = array<i32>} : memref<8x128x64xf32, #tpu.memory_space<vmem>>, vector<1x1x16xf32>,
      %get3A_253 = vector.shape_cast %get3A_252 : vector<1x1x16xf32> to vector<16xf32>
      %add3A_254 = arith.addf %get3A_247, %get3A_253 : vector<16xf32>
      %add3A_255 = arith.constant 0 : i32
      %add3A_256 = arith.addi %add3A_255, %scan3A_222 : i32
      %swap3A_257 = arith.index_cast %add3A_256 : i32 to index
      %swap3A_258 = arith.constant 16 : index
      %swap3A_259 = tpu.vector_load %arg7[%swap3A_257, %swap3A_258] {strides = array<i32>} : memref<512x64xf32, #tpu.memory_space<vmem>>, vector<1x16xf32>,
      %swap3A_260 = vector.shape_cast %swap3A_259 : vector<1x16xf32> to vector<16xf32>
      %swap3A_261 = vector.shape_cast %add3A_254 : vector<16xf32> to vector<1x16xf32>
      tpu.vector_store %arg7[%swap3A_257, %swap3A_258], %swap3A_261 {strides = array<i32>} : memref<512x64xf32, #tpu.memory_space<vmem>>, vector<1x16xf32>,
      %get3A_262 = arith.constant 0 : i32
      %get3A_263 = arith.index_cast %get3A_262 : i32 to index
      %get3A_264 = arith.index_cast %scan3A_222 : i32 to index
      %get3A_265 = arith.constant 32 : index
      %get3A_266 = tpu.vector_load %arg6[%get3A_263, %get3A_264, %get3A_265] {strides = array<i32>} : memref<8x128x64xf32, #tpu.memory_space<vmem>>, vector<1x1x16xf32>,
      %get3A_267 = vector.shape_cast %get3A_266 : vector<1x1x16xf32> to vector<16xf32>
      %get3A_268 = arith.constant 1 : i32
      %get3A_269 = arith.index_cast %get3A_268 : i32 to index
      %get3A_270 = arith.index_cast %scan3A_222 : i32 to index
      %get3A_271 = arith.constant 32 : index
      %get3A_272 = tpu.vector_load %arg6[%get3A_269, %get3A_270, %get3A_271] {strides = array<i32>} : memref<8x128x64xf32, #tpu.memory_space<vmem>>, vector<1x1x16xf32>,
      %get3A_273 = vector.shape_cast %get3A_272 : vector<1x1x16xf32> to vector<16xf32>
      %add3A_274 = arith.addf %get3A_267, %get3A_273 : vector<16xf32>
      %add3A_275 = arith.constant 0 : i32
      %add3A_276 = arith.addi %add3A_275, %scan3A_222 : i32
      %swap3A_277 = arith.index_cast %add3A_276 : i32 to index
      %swap3A_278 = arith.constant 32 : index
      %swap3A_279 = tpu.vector_load %arg7[%swap3A_277, %swap3A_278] {strides = array<i32>} : memref<512x64xf32, #tpu.memory_space<vmem>>, vector<1x16xf32>,
      %swap3A_280 = vector.shape_cast %swap3A_279 : vector<1x16xf32> to vector<16xf32>
      %swap3A_281 = vector.shape_cast %add3A_274 : vector<16xf32> to vector<1x16xf32>
      tpu.vector_store %arg7[%swap3A_277, %swap3A_278], %swap3A_281 {strides = array<i32>} : memref<512x64xf32, #tpu.memory_space<vmem>>, vector<1x16xf32>,
      %get3A_282 = arith.constant 0 : i32
      %get3A_283 = arith.index_cast %get3A_282 : i32 to index
      %get3A_284 = arith.index_cast %scan3A_222 : i32 to index
      %get3A_285 = arith.constant 48 : index
      %get3A_286 = tpu.vector_load %arg6[%get3A_283, %get3A_284, %get3A_285] {strides = array<i32>} : memref<8x128x64xf32, #tpu.memory_space<vmem>>, vector<1x1x16xf32>,
      %get3A_287 = vector.shape_cast %get3A_286 : vector<1x1x16xf32> to vector<16xf32>
      %get3A_288 = arith.constant 1 : i32
      %get3A_289 = arith.index_cast %get3A_288 : i32 to index
      %get3A_290 = arith.index_cast %scan3A_222 : i32 to index
      %get3A_291 = arith.constant 48 : index
      %get3A_292 = tpu.vector_load %arg6[%get3A_289, %get3A_290, %get3A_291] {strides = array<i32>} : memref<8x128x64xf32, #tpu.memory_space<vmem>>, vector<1x1x16xf32>,
      %get3A_293 = vector.shape_cast %get3A_292 : vector<1x1x16xf32> to vector<16xf32>
      %add3A_294 = arith.addf %get3A_287, %get3A_293 : vector<16xf32>
      %add3A_295 = arith.constant 0 : i32
      %add3A_296 = arith.addi %add3A_295, %scan3A_222 : i32
      %swap3A_297 = arith.index_cast %add3A_296 : i32 to index
      %swap3A_298 = arith.constant 48 : index
      %swap3A_299 = tpu.vector_load %arg7[%swap3A_297, %swap3A_298] {strides = array<i32>} : memref<512x64xf32, #tpu.memory_space<vmem>>, vector<1x16xf32>,
      %swap3A_300 = vector.shape_cast %swap3A_299 : vector<1x16xf32> to vector<16xf32>
      %swap3A_301 = vector.shape_cast %add3A_294 : vector<16xf32> to vector<1x16xf32>
      tpu.vector_store %arg7[%swap3A_297, %swap3A_298], %swap3A_301 {strides = array<i32>} : memref<512x64xf32, #tpu.memory_space<vmem>>, vector<1x16xf32>,
      %scan3A_302 = arith.constant 0 : i32
      scf.yield %scan3A_302 : i32
    }
    %scan3A_200 = arith.constant 128 : i32
    %scan3A_201 = arith.constant 0 : i32
    %scan3A_202 = arith.constant 0 : i32
    %scan3A_203 = arith.constant 128 : i32
    %scan3A_204 = arith.addi %scan3A_202, %scan3A_203 : i32
    %scan3A_205 = arith.constant 1 : i32
    %scan3A_206 = scf.for %scan3A_222 = %scan3A_202 to %scan3A_204 step %scan3A_205 iter_args(%scan3A_223 = %scan3A_201) -> (i32)  : i32 {
      %get3A = arith.constant 2 : i32
      %get3A_224 = arith.index_cast %get3A : i32 to index
      %get3A_225 = arith.index_cast %scan3A_222 : i32 to index
      %get3A_226 = arith.constant 0 : index
      %get3A_227 = tpu.vector_load %arg6[%get3A_224, %get3A_225, %get3A_226] {strides = array<i32>} : memref<8x128x64xf32, #tpu.memory_space<vmem>>, vector<1x1x16xf32>,
      %get3A_228 = vector.shape_cast %get3A_227 : vector<1x1x16xf32> to vector<16xf32>
      %get3A_229 = arith.constant 3 : i32
      %get3A_230 = arith.index_cast %get3A_229 : i32 to index
      %get3A_231 = arith.index_cast %scan3A_222 : i32 to index
      %get3A_232 = arith.constant 0 : index
      %get3A_233 = tpu.vector_load %arg6[%get3A_230, %get3A_231, %get3A_232] {strides = array<i32>} : memref<8x128x64xf32, #tpu.memory_space<vmem>>, vector<1x1x16xf32>,
      %get3A_234 = vector.shape_cast %get3A_233 : vector<1x1x16xf32> to vector<16xf32>
      %add3A_235 = arith.addf %get3A_228, %get3A_234 : vector<16xf32>
      %add3A_236 = arith.constant 128 : i32
      %add3A_237 = arith.addi %add3A_236, %scan3A_222 : i32
      %swap3A = arith.index_cast %add3A_237 : i32 to index
      %swap3A_238 = arith.constant 0 : index
      %swap3A_239 = tpu.vector_load %arg7[%swap3A, %swap3A_238] {strides = array<i32>} : memref<512x64xf32, #tpu.memory_space<vmem>>, vector<1x16xf32>,
      %swap3A_240 = vector.shape_cast %swap3A_239 : vector<1x16xf32> to vector<16xf32>
      %swap3A_241 = vector.shape_cast %add3A_235 : vector<16xf32> to vector<1x16xf32>
      tpu.vector_store %arg7[%swap3A, %swap3A_238], %swap3A_241 {strides = array<i32>} : memref<512x64xf32, #tpu.memory_space<vmem>>, vector<1x16xf32>,
      %get3A_242 = arith.constant 2 : i32
      %get3A_243 = arith.index_cast %get3A_242 : i32 to index
      %get3A_244 = arith.index_cast %scan3A_222 : i32 to index
      %get3A_245 = arith.constant 16 : index
      %get3A_246 = tpu.vector_load %arg6[%get3A_243, %get3A_244, %get3A_245] {strides = array<i32>} : memref<8x128x64xf32, #tpu.memory_space<vmem>>, vector<1x1x16xf32>,
      %get3A_247 = vector.shape_cast %get3A_246 : vector<1x1x16xf32> to vector<16xf32>
      %get3A_248 = arith.constant 3 : i32
      %get3A_249 = arith.index_cast %get3A_248 : i32 to index
      %get3A_250 = arith.index_cast %scan3A_222 : i32 to index
      %get3A_251 = arith.constant 16 : index
      %get3A_252 = tpu.vector_load %arg6[%get3A_249, %get3A_250, %get3A_251] {strides = array<i32>} : memref<8x128x64xf32, #tpu.memory_space<vmem>>, vector<1x1x16xf32>,
      %get3A_253 = vector.shape_cast %get3A_252 : vector<1x1x16xf32> to vector<16xf32>
      %add3A_254 = arith.addf %get3A_247, %get3A_253 : vector<16xf32>
      %add3A_255 = arith.constant 128 : i32
      %add3A_256 = arith.addi %add3A_255, %scan3A_222 : i32
      %swap3A_257 = arith.index_cast %add3A_256 : i32 to index
      %swap3A_258 = arith.constant 16 : index
      %swap3A_259 = tpu.vector_load %arg7[%swap3A_257, %swap3A_258] {strides = array<i32>} : memref<512x64xf32, #tpu.memory_space<vmem>>, vector<1x16xf32>,
      %swap3A_260 = vector.shape_cast %swap3A_259 : vector<1x16xf32> to vector<16xf32>
      %swap3A_261 = vector.shape_cast %add3A_254 : vector<16xf32> to vector<1x16xf32>
      tpu.vector_store %arg7[%swap3A_257, %swap3A_258], %swap3A_261 {strides = array<i32>} : memref<512x64xf32, #tpu.memory_space<vmem>>, vector<1x16xf32>,
      %get3A_262 = arith.constant 2 : i32
      %get3A_263 = arith.index_cast %get3A_262 : i32 to index
      %get3A_264 = arith.index_cast %scan3A_222 : i32 to index
      %get3A_265 = arith.constant 32 : index
      %get3A_266 = tpu.vector_load %arg6[%get3A_263, %get3A_264, %get3A_265] {strides = array<i32>} : memref<8x128x64xf32, #tpu.memory_space<vmem>>, vector<1x1x16xf32>,
      %get3A_267 = vector.shape_cast %get3A_266 : vector<1x1x16xf32> to vector<16xf32>
      %get3A_268 = arith.constant 3 : i32
      %get3A_269 = arith.index_cast %get3A_268 : i32 to index
      %get3A_270 = arith.index_cast %scan3A_222 : i32 to index
      %get3A_271 = arith.constant 32 : index
      %get3A_272 = tpu.vector_load %arg6[%get3A_269, %get3A_270, %get3A_271] {strides = array<i32>} : memref<8x128x64xf32, #tpu.memory_space<vmem>>, vector<1x1x16xf32>,
      %get3A_273 = vector.shape_cast %get3A_272 : vector<1x1x16xf32> to vector<16xf32>
      %add3A_274 = arith.addf %get3A_267, %get3A_273 : vector<16xf32>
      %add3A_275 = arith.constant 128 : i32
      %add3A_276 = arith.addi %add3A_275, %scan3A_222 : i32
      %swap3A_277 = arith.index_cast %add3A_276 : i32 to index
      %swap3A_278 = arith.constant 32 : index
      %swap3A_279 = tpu.vector_load %arg7[%swap3A_277, %swap3A_278] {strides = array<i32>} : memref<512x64xf32, #tpu.memory_space<vmem>>, vector<1x16xf32>,
      %swap3A_280 = vector.shape_cast %swap3A_279 : vector<1x16xf32> to vector<16xf32>
      %swap3A_281 = vector.shape_cast %add3A_274 : vector<16xf32> to vector<1x16xf32>
      tpu.vector_store %arg7[%swap3A_277, %swap3A_278], %swap3A_281 {strides = array<i32>} : memref<512x64xf32, #tpu.memory_space<vmem>>, vector<1x16xf32>,
      %get3A_282 = arith.constant 2 : i32
      %get3A_283 = arith.index_cast %get3A_282 : i32 to index
      %get3A_284 = arith.index_cast %scan3A_222 : i32 to index
      %get3A_285 = arith.constant 48 : index
      %get3A_286 = tpu.vector_load %arg6[%get3A_283, %get3A_284, %get3A_285] {strides = array<i32>} : memref<8x128x64xf32, #tpu.memory_space<vmem>>, vector<1x1x16xf32>,
      %get3A_287 = vector.shape_cast %get3A_286 : vector<1x1x16xf32> to vector<16xf32>
      %get3A_288 = arith.constant 3 : i32
      %get3A_289 = arith.index_cast %get3A_288 : i32 to index
      %get3A_290 = arith.index_cast %scan3A_222 : i32 to index
      %get3A_291 = arith.constant 48 : index
      %get3A_292 = tpu.vector_load %arg6[%get3A_289, %get3A_290, %get3A_291] {strides = array<i32>} : memref<8x128x64xf32, #tpu.memory_space<vmem>>, vector<1x1x16xf32>,
      %get3A_293 = vector.shape_cast %get3A_292 : vector<1x1x16xf32> to vector<16xf32>
      %add3A_294 = arith.addf %get3A_287, %get3A_293 : vector<16xf32>
      %add3A_295 = arith.constant 128 : i32
      %add3A_296 = arith.addi %add3A_295, %scan3A_222 : i32
      %swap3A_297 = arith.index_cast %add3A_296 : i32 to index
      %swap3A_298 = arith.constant 48 : index
      %swap3A_299 = tpu.vector_load %arg7[%swap3A_297, %swap3A_298] {strides = array<i32>} : memref<512x64xf32, #tpu.memory_space<vmem>>, vector<1x16xf32>,
      %swap3A_300 = vector.shape_cast %swap3A_299 : vector<1x16xf32> to vector<16xf32>
      %swap3A_301 = vector.shape_cast %add3A_294 : vector<16xf32> to vector<1x16xf32>
      tpu.vector_store %arg7[%swap3A_297, %swap3A_298], %swap3A_301 {strides = array<i32>} : memref<512x64xf32, #tpu.memory_space<vmem>>, vector<1x16xf32>,
      %scan3A_302 = arith.constant 0 : i32
      scf.yield %scan3A_302 : i32
    }
    %scan3A_207 = arith.constant 128 : i32
    %scan3A_208 = arith.constant 0 : i32
    %scan3A_209 = arith.constant 0 : i32
    %scan3A_210 = arith.constant 128 : i32
    %scan3A_211 = arith.addi %scan3A_209, %scan3A_210 : i32
    %scan3A_212 = arith.constant 1 : i32
    %scan3A_213 = scf.for %scan3A_222 = %scan3A_209 to %scan3A_211 step %scan3A_212 iter_args(%scan3A_223 = %scan3A_208) -> (i32)  : i32 {
      %get3A = arith.constant 4 : i32
      %get3A_224 = arith.index_cast %get3A : i32 to index
      %get3A_225 = arith.index_cast %scan3A_222 : i32 to index
      %get3A_226 = arith.constant 0 : index
      %get3A_227 = tpu.vector_load %arg6[%get3A_224, %get3A_225, %get3A_226] {strides = array<i32>} : memref<8x128x64xf32, #tpu.memory_space<vmem>>, vector<1x1x16xf32>,
      %get3A_228 = vector.shape_cast %get3A_227 : vector<1x1x16xf32> to vector<16xf32>
      %get3A_229 = arith.constant 5 : i32
      %get3A_230 = arith.index_cast %get3A_229 : i32 to index
      %get3A_231 = arith.index_cast %scan3A_222 : i32 to index
      %get3A_232 = arith.constant 0 : index
      %get3A_233 = tpu.vector_load %arg6[%get3A_230, %get3A_231, %get3A_232] {strides = array<i32>} : memref<8x128x64xf32, #tpu.memory_space<vmem>>, vector<1x1x16xf32>,
      %get3A_234 = vector.shape_cast %get3A_233 : vector<1x1x16xf32> to vector<16xf32>
      %add3A_235 = arith.addf %get3A_228, %get3A_234 : vector<16xf32>
      %add3A_236 = arith.constant 256 : i32
      %add3A_237 = arith.addi %add3A_236, %scan3A_222 : i32
      %swap3A = arith.index_cast %add3A_237 : i32 to index
      %swap3A_238 = arith.constant 0 : index
      %swap3A_239 = tpu.vector_load %arg7[%swap3A, %swap3A_238] {strides = array<i32>} : memref<512x64xf32, #tpu.memory_space<vmem>>, vector<1x16xf32>,
      %swap3A_240 = vector.shape_cast %swap3A_239 : vector<1x16xf32> to vector<16xf32>
      %swap3A_241 = vector.shape_cast %add3A_235 : vector<16xf32> to vector<1x16xf32>
      tpu.vector_store %arg7[%swap3A, %swap3A_238], %swap3A_241 {strides = array<i32>} : memref<512x64xf32, #tpu.memory_space<vmem>>, vector<1x16xf32>,
      %get3A_242 = arith.constant 4 : i32
      %get3A_243 = arith.index_cast %get3A_242 : i32 to index
      %get3A_244 = arith.index_cast %scan3A_222 : i32 to index
      %get3A_245 = arith.constant 16 : index
      %get3A_246 = tpu.vector_load %arg6[%get3A_243, %get3A_244, %get3A_245] {strides = array<i32>} : memref<8x128x64xf32, #tpu.memory_space<vmem>>, vector<1x1x16xf32>,
      %get3A_247 = vector.shape_cast %get3A_246 : vector<1x1x16xf32> to vector<16xf32>
      %get3A_248 = arith.constant 5 : i32
      %get3A_249 = arith.index_cast %get3A_248 : i32 to index
      %get3A_250 = arith.index_cast %scan3A_222 : i32 to index
      %get3A_251 = arith.constant 16 : index
      %get3A_252 = tpu.vector_load %arg6[%get3A_249, %get3A_250, %get3A_251] {strides = array<i32>} : memref<8x128x64xf32, #tpu.memory_space<vmem>>, vector<1x1x16xf32>,
      %get3A_253 = vector.shape_cast %get3A_252 : vector<1x1x16xf32> to vector<16xf32>
      %add3A_254 = arith.addf %get3A_247, %get3A_253 : vector<16xf32>
      %add3A_255 = arith.constant 256 : i32
      %add3A_256 = arith.addi %add3A_255, %scan3A_222 : i32
      %swap3A_257 = arith.index_cast %add3A_256 : i32 to index
      %swap3A_258 = arith.constant 16 : index
      %swap3A_259 = tpu.vector_load %arg7[%swap3A_257, %swap3A_258] {strides = array<i32>} : memref<512x64xf32, #tpu.memory_space<vmem>>, vector<1x16xf32>,
      %swap3A_260 = vector.shape_cast %swap3A_259 : vector<1x16xf32> to vector<16xf32>
      %swap3A_261 = vector.shape_cast %add3A_254 : vector<16xf32> to vector<1x16xf32>
      tpu.vector_store %arg7[%swap3A_257, %swap3A_258], %swap3A_261 {strides = array<i32>} : memref<512x64xf32, #tpu.memory_space<vmem>>, vector<1x16xf32>,
      %get3A_262 = arith.constant 4 : i32
      %get3A_263 = arith.index_cast %get3A_262 : i32 to index
      %get3A_264 = arith.index_cast %scan3A_222 : i32 to index
      %get3A_265 = arith.constant 32 : index
      %get3A_266 = tpu.vector_load %arg6[%get3A_263, %get3A_264, %get3A_265] {strides = array<i32>} : memref<8x128x64xf32, #tpu.memory_space<vmem>>, vector<1x1x16xf32>,
      %get3A_267 = vector.shape_cast %get3A_266 : vector<1x1x16xf32> to vector<16xf32>
      %get3A_268 = arith.constant 5 : i32
      %get3A_269 = arith.index_cast %get3A_268 : i32 to index
      %get3A_270 = arith.index_cast %scan3A_222 : i32 to index
      %get3A_271 = arith.constant 32 : index
      %get3A_272 = tpu.vector_load %arg6[%get3A_269, %get3A_270, %get3A_271] {strides = array<i32>} : memref<8x128x64xf32, #tpu.memory_space<vmem>>, vector<1x1x16xf32>,
      %get3A_273 = vector.shape_cast %get3A_272 : vector<1x1x16xf32> to vector<16xf32>
      %add3A_274 = arith.addf %get3A_267, %get3A_273 : vector<16xf32>
      %add3A_275 = arith.constant 256 : i32
      %add3A_276 = arith.addi %add3A_275, %scan3A_222 : i32
      %swap3A_277 = arith.index_cast %add3A_276 : i32 to index
      %swap3A_278 = arith.constant 32 : index
      %swap3A_279 = tpu.vector_load %arg7[%swap3A_277, %swap3A_278] {strides = array<i32>} : memref<512x64xf32, #tpu.memory_space<vmem>>, vector<1x16xf32>,
      %swap3A_280 = vector.shape_cast %swap3A_279 : vector<1x16xf32> to vector<16xf32>
      %swap3A_281 = vector.shape_cast %add3A_274 : vector<16xf32> to vector<1x16xf32>
      tpu.vector_store %arg7[%swap3A_277, %swap3A_278], %swap3A_281 {strides = array<i32>} : memref<512x64xf32, #tpu.memory_space<vmem>>, vector<1x16xf32>,
      %get3A_282 = arith.constant 4 : i32
      %get3A_283 = arith.index_cast %get3A_282 : i32 to index
      %get3A_284 = arith.index_cast %scan3A_222 : i32 to index
      %get3A_285 = arith.constant 48 : index
      %get3A_286 = tpu.vector_load %arg6[%get3A_283, %get3A_284, %get3A_285] {strides = array<i32>} : memref<8x128x64xf32, #tpu.memory_space<vmem>>, vector<1x1x16xf32>,
      %get3A_287 = vector.shape_cast %get3A_286 : vector<1x1x16xf32> to vector<16xf32>
      %get3A_288 = arith.constant 5 : i32
      %get3A_289 = arith.index_cast %get3A_288 : i32 to index
      %get3A_290 = arith.index_cast %scan3A_222 : i32 to index
      %get3A_291 = arith.constant 48 : index
      %get3A_292 = tpu.vector_load %arg6[%get3A_289, %get3A_290, %get3A_291] {strides = array<i32>} : memref<8x128x64xf32, #tpu.memory_space<vmem>>, vector<1x1x16xf32>,
      %get3A_293 = vector.shape_cast %get3A_292 : vector<1x1x16xf32> to vector<16xf32>
      %add3A_294 = arith.addf %get3A_287, %get3A_293 : vector<16xf32>
      %add3A_295 = arith.constant 256 : i32
      %add3A_296 = arith.addi %add3A_295, %scan3A_222 : i32
      %swap3A_297 = arith.index_cast %add3A_296 : i32 to index
      %swap3A_298 = arith.constant 48 : index
      %swap3A_299 = tpu.vector_load %arg7[%swap3A_297, %swap3A_298] {strides = array<i32>} : memref<512x64xf32, #tpu.memory_space<vmem>>, vector<1x16xf32>,
      %swap3A_300 = vector.shape_cast %swap3A_299 : vector<1x16xf32> to vector<16xf32>
      %swap3A_301 = vector.shape_cast %add3A_294 : vector<16xf32> to vector<1x16xf32>
      tpu.vector_store %arg7[%swap3A_297, %swap3A_298], %swap3A_301 {strides = array<i32>} : memref<512x64xf32, #tpu.memory_space<vmem>>, vector<1x16xf32>,
      %scan3A_302 = arith.constant 0 : i32
      scf.yield %scan3A_302 : i32
    }
    %scan3A_214 = arith.constant 128 : i32
    %scan3A_215 = arith.constant 0 : i32
    %scan3A_216 = arith.constant 0 : i32
    %scan3A_217 = arith.constant 128 : i32
    %scan3A_218 = arith.addi %scan3A_216, %scan3A_217 : i32
    %scan3A_219 = arith.constant 1 : i32
    %scan3A_220 = scf.for %scan3A_222 = %scan3A_216 to %scan3A_218 step %scan3A_219 iter_args(%scan3A_223 = %scan3A_215) -> (i32)  : i32 {
      %get3A = arith.constant 6 : i32
      %get3A_224 = arith.index_cast %get3A : i32 to index
      %get3A_225 = arith.index_cast %scan3A_222 : i32 to index
      %get3A_226 = arith.constant 0 : index
      %get3A_227 = tpu.vector_load %arg6[%get3A_224, %get3A_225, %get3A_226] {strides = array<i32>} : memref<8x128x64xf32, #tpu.memory_space<vmem>>, vector<1x1x16xf32>,
      %get3A_228 = vector.shape_cast %get3A_227 : vector<1x1x16xf32> to vector<16xf32>
      %get3A_229 = arith.constant 7 : i32
      %get3A_230 = arith.index_cast %get3A_229 : i32 to index
      %get3A_231 = arith.index_cast %scan3A_222 : i32 to index
      %get3A_232 = arith.constant 0 : index
      %get3A_233 = tpu.vector_load %arg6[%get3A_230, %get3A_231, %get3A_232] {strides = array<i32>} : memref<8x128x64xf32, #tpu.memory_space<vmem>>, vector<1x1x16xf32>,
      %get3A_234 = vector.shape_cast %get3A_233 : vector<1x1x16xf32> to vector<16xf32>
      %add3A_235 = arith.addf %get3A_228, %get3A_234 : vector<16xf32>
      %add3A_236 = arith.constant 384 : i32
      %add3A_237 = arith.addi %add3A_236, %scan3A_222 : i32
      %swap3A = arith.index_cast %add3A_237 : i32 to index
      %swap3A_238 = arith.constant 0 : index
      %swap3A_239 = tpu.vector_load %arg7[%swap3A, %swap3A_238] {strides = array<i32>} : memref<512x64xf32, #tpu.memory_space<vmem>>, vector<1x16xf32>,
      %swap3A_240 = vector.shape_cast %swap3A_239 : vector<1x16xf32> to vector<16xf32>
      %swap3A_241 = vector.shape_cast %add3A_235 : vector<16xf32> to vector<1x16xf32>
      tpu.vector_store %arg7[%swap3A, %swap3A_238], %swap3A_241 {strides = array<i32>} : memref<512x64xf32, #tpu.memory_space<vmem>>, vector<1x16xf32>,
      %get3A_242 = arith.constant 6 : i32
      %get3A_243 = arith.index_cast %get3A_242 : i32 to index
      %get3A_244 = arith.index_cast %scan3A_222 : i32 to index
      %get3A_245 = arith.constant 16 : index
      %get3A_246 = tpu.vector_load %arg6[%get3A_243, %get3A_244, %get3A_245] {strides = array<i32>} : memref<8x128x64xf32, #tpu.memory_space<vmem>>, vector<1x1x16xf32>,
      %get3A_247 = vector.shape_cast %get3A_246 : vector<1x1x16xf32> to vector<16xf32>
      %get3A_248 = arith.constant 7 : i32
      %get3A_249 = arith.index_cast %get3A_248 : i32 to index
      %get3A_250 = arith.index_cast %scan3A_222 : i32 to index
      %get3A_251 = arith.constant 16 : index
      %get3A_252 = tpu.vector_load %arg6[%get3A_249, %get3A_250, %get3A_251] {strides = array<i32>} : memref<8x128x64xf32, #tpu.memory_space<vmem>>, vector<1x1x16xf32>,
      %get3A_253 = vector.shape_cast %get3A_252 : vector<1x1x16xf32> to vector<16xf32>
      %add3A_254 = arith.addf %get3A_247, %get3A_253 : vector<16xf32>
      %add3A_255 = arith.constant 384 : i32
      %add3A_256 = arith.addi %add3A_255, %scan3A_222 : i32
      %swap3A_257 = arith.index_cast %add3A_256 : i32 to index
      %swap3A_258 = arith.constant 16 : index
      %swap3A_259 = tpu.vector_load %arg7[%swap3A_257, %swap3A_258] {strides = array<i32>} : memref<512x64xf32, #tpu.memory_space<vmem>>, vector<1x16xf32>,
      %swap3A_260 = vector.shape_cast %swap3A_259 : vector<1x16xf32> to vector<16xf32>
      %swap3A_261 = vector.shape_cast %add3A_254 : vector<16xf32> to vector<1x16xf32>
      tpu.vector_store %arg7[%swap3A_257, %swap3A_258], %swap3A_261 {strides = array<i32>} : memref<512x64xf32, #tpu.memory_space<vmem>>, vector<1x16xf32>,
      %get3A_262 = arith.constant 6 : i32
      %get3A_263 = arith.index_cast %get3A_262 : i32 to index
      %get3A_264 = arith.index_cast %scan3A_222 : i32 to index
      %get3A_265 = arith.constant 32 : index
      %get3A_266 = tpu.vector_load %arg6[%get3A_263, %get3A_264, %get3A_265] {strides = array<i32>} : memref<8x128x64xf32, #tpu.memory_space<vmem>>, vector<1x1x16xf32>,
      %get3A_267 = vector.shape_cast %get3A_266 : vector<1x1x16xf32> to vector<16xf32>
      %get3A_268 = arith.constant 7 : i32
      %get3A_269 = arith.index_cast %get3A_268 : i32 to index
      %get3A_270 = arith.index_cast %scan3A_222 : i32 to index
      %get3A_271 = arith.constant 32 : index
      %get3A_272 = tpu.vector_load %arg6[%get3A_269, %get3A_270, %get3A_271] {strides = array<i32>} : memref<8x128x64xf32, #tpu.memory_space<vmem>>, vector<1x1x16xf32>,
      %get3A_273 = vector.shape_cast %get3A_272 : vector<1x1x16xf32> to vector<16xf32>
      %add3A_274 = arith.addf %get3A_267, %get3A_273 : vector<16xf32>
      %add3A_275 = arith.constant 384 : i32
      %add3A_276 = arith.addi %add3A_275, %scan3A_222 : i32
      %swap3A_277 = arith.index_cast %add3A_276 : i32 to index
      %swap3A_278 = arith.constant 32 : index
      %swap3A_279 = tpu.vector_load %arg7[%swap3A_277, %swap3A_278] {strides = array<i32>} : memref<512x64xf32, #tpu.memory_space<vmem>>, vector<1x16xf32>,
      %swap3A_280 = vector.shape_cast %swap3A_279 : vector<1x16xf32> to vector<16xf32>
      %swap3A_281 = vector.shape_cast %add3A_274 : vector<16xf32> to vector<1x16xf32>
      tpu.vector_store %arg7[%swap3A_277, %swap3A_278], %swap3A_281 {strides = array<i32>} : memref<512x64xf32, #tpu.memory_space<vmem>>, vector<1x16xf32>,
      %get3A_282 = arith.constant 6 : i32
      %get3A_283 = arith.index_cast %get3A_282 : i32 to index
      %get3A_284 = arith.index_cast %scan3A_222 : i32 to index
      %get3A_285 = arith.constant 48 : index
      %get3A_286 = tpu.vector_load %arg6[%get3A_283, %get3A_284, %get3A_285] {strides = array<i32>} : memref<8x128x64xf32, #tpu.memory_space<vmem>>, vector<1x1x16xf32>,
      %get3A_287 = vector.shape_cast %get3A_286 : vector<1x1x16xf32> to vector<16xf32>
      %get3A_288 = arith.constant 7 : i32
      %get3A_289 = arith.index_cast %get3A_288 : i32 to index
      %get3A_290 = arith.index_cast %scan3A_222 : i32 to index
      %get3A_291 = arith.constant 48 : index
      %get3A_292 = tpu.vector_load %arg6[%get3A_289, %get3A_290, %get3A_291] {strides = array<i32>} : memref<8x128x64xf32, #tpu.memory_space<vmem>>, vector<1x1x16xf32>,
      %get3A_293 = vector.shape_cast %get3A_292 : vector<1x1x16xf32> to vector<16xf32>
      %add3A_294 = arith.addf %get3A_287, %get3A_293 : vector<16xf32>
      %add3A_295 = arith.constant 384 : i32
      %add3A_296 = arith.addi %add3A_295, %scan3A_222 : i32
      %swap3A_297 = arith.index_cast %add3A_296 : i32 to index
      %swap3A_298 = arith.constant 48 : index
      %swap3A_299 = tpu.vector_load %arg7[%swap3A_297, %swap3A_298] {strides = array<i32>} : memref<512x64xf32, #tpu.memory_space<vmem>>, vector<1x16xf32>,
      %swap3A_300 = vector.shape_cast %swap3A_299 : vector<1x16xf32> to vector<16xf32>
      %swap3A_301 = vector.shape_cast %add3A_294 : vector<16xf32> to vector<1x16xf32>
      tpu.vector_store %arg7[%swap3A_297, %swap3A_298], %swap3A_301 {strides = array<i32>} : memref<512x64xf32, #tpu.memory_space<vmem>>, vector<1x16xf32>,
      %scan3A_302 = arith.constant 0 : i32
      scf.yield %scan3A_302 : i32
    }
    %scan3A_221 = arith.constant 128 : i32
    "tpu.region"() ({
      %run_scoped3A = tpu.sem_alloc : memref<!tpu.dma_semaphore, #tpu.memory_space<semaphore_mem>>
      %dma_start3A_222 = arith.constant 0 : i32
      %dma_start3A_223 = tpu.memref_slice %arg4[%mul3A_2, %dma_start3A_222] : memref<16384x128xf32, #tpu.memory_space<hbm>> -> memref<512x64xf32, #tpu.memory_space<hbm>>
      %dma_start3A_224 = arith.constant 0 : i32
      %dma_start3A_225 = tpu.memref_slice %arg4[%mul3A_2, %dma_start3A_224] : memref<16384x128xf32, #tpu.memory_space<hbm>> -> memref<512x64xf32, #tpu.memory_space<hbm>>
      tpu.enqueue_dma source(%arg7 : memref<512x64xf32, #tpu.memory_space<vmem>>) target(%dma_start3A_225 : memref<512x64xf32, #tpu.memory_space<hbm>>) target_semaphore(%run_scoped3A : memref<!tpu.dma_semaphore, #tpu.memory_space<semaphore_mem>>)
      %dma_wait3A_226 = arith.constant 0 : i32
      %dma_wait3A_227 = tpu.memref_slice %arg4[%mul3A_2, %dma_wait3A_226] : memref<16384x128xf32, #tpu.memory_space<hbm>> -> memref<512x64xf32, #tpu.memory_space<hbm>>
      %dma_wait3A_228 = arith.constant 0 : i32
      %dma_wait3A_229 = tpu.memref_slice %arg4[%mul3A_2, %dma_wait3A_228] : memref<16384x128xf32, #tpu.memory_space<hbm>> -> memref<512x64xf32, #tpu.memory_space<hbm>>
      tpu.wait_dma2 semaphore(%run_scoped3A : memref<!tpu.dma_semaphore, #tpu.memory_space<semaphore_mem>>) src(%arg7 : memref<512x64xf32, #tpu.memory_space<vmem>>) dst(%dma_wait3A_229 : memref<512x64xf32, #tpu.memory_space<hbm>>)
      tpu.yield
    }) : () -> ()
    return
  }
}

module attributes {stable_mosaic.version = 14 : i64} {
  func.func @_mlp_t_kernel(%arg0: i32, %arg1: memref<2048x128xf32, #tpu.memory_space<vmem>>, %arg2: memref<64x64xf32, #tpu.memory_space<vmem>>, %arg3: memref<64x1xf32, #tpu.memory_space<vmem>>, %arg4: memref<1000x64xf32, #tpu.memory_space<vmem>>, %arg5: memref<1000x1xf32, #tpu.memory_space<vmem>>, %arg6: memref<1000x2048xf32, #tpu.memory_space<vmem>>) attributes {dimension_semantics = [#tpu.dimension_semantics<parallel>], iteration_bounds = array<i64: 8>, scalar_prefetch = 0 : i64, scratch_operands = 0 : i64, tpu.core_type = #tpu.core_type<tc>, window_params = [{transform_indices = @transform_0, window_bounds = array<i64: 2048, 128>}, {pipeline_mode = #tpu.pipeline_mode<synchronous>, transform_indices = @transform_1, window_bounds = array<i64: 64, 64>}, {pipeline_mode = #tpu.pipeline_mode<synchronous>, transform_indices = @transform_2, window_bounds = array<i64: 64, 1>}, {pipeline_mode = #tpu.pipeline_mode<synchronous>, transform_indices = @transform_3, window_bounds = array<i64: 1000, 64>}, {pipeline_mode = #tpu.pipeline_mode<synchronous>, transform_indices = @transform_4, window_bounds = array<i64: 1000, 1>}, {transform_indices = @transform_5, window_bounds = array<i64: 1000, 2048>}]} {
    %get3A = arith.constant 0 : index
    %get3A_0 = arith.constant 0 : index
    %get3A_1 = vector.load %arg1[%get3A, %get3A_0] : memref<2048x128xf32, #tpu.memory_space<vmem>>, vector<2048x64xf32>
    %get3A_2 = arith.constant 0 : index
    %get3A_3 = arith.constant 0 : index
    %get3A_4 = vector.load %arg2[%get3A_2, %get3A_3] : memref<64x64xf32, #tpu.memory_space<vmem>>, vector<64x64xf32>
    %dot_general3A = arith.constant dense<0.000000e+00> : vector<64x2048xf32>
    %dot_general3A_5 = tpu.matmul %get3A_4, %get3A_1, %dot_general3A {dimension_numbers = #tpu.dot_dimension_numbers<[1], [1], [0], [0], [0, 0, 1, 0], [], []>, transpose_lhs_hint = false} : vector<64x64xf32>, vector<2048x64xf32>, vector<64x2048xf32> -> vector<64x2048xf32>
    %get3A_6 = arith.constant 0 : index
    %get3A_7 = arith.constant 0 : index
    %get3A_8 = vector.load %arg3[%get3A_6, %get3A_7] : memref<64x1xf32, #tpu.memory_space<vmem>>, vector<64x1xf32>
    %add3A = vector.broadcast %get3A_8 : vector<64x1xf32> to vector<64x2048xf32>
    %add3A_9 = arith.addf %dot_general3A_5, %add3A : vector<64x2048xf32>
    %max3A = arith.constant 0.000000e+00 : f32
    %max3A_10 = vector.broadcast %max3A : f32 to vector<64x2048xf32>
    %max3A_11 = arith.maximumf %add3A_9, %max3A_10 : vector<64x2048xf32>
    %get3A_12 = arith.constant 0 : index
    %get3A_13 = arith.constant 0 : index
    %get3A_14 = vector.load %arg4[%get3A_12, %get3A_13] : memref<1000x64xf32, #tpu.memory_space<vmem>>, vector<1000x64xf32>
    %dot_general3A_15 = arith.constant dense<0.000000e+00> : vector<1000x2048xf32>
    %dot_general3A_16 = tpu.matmul %get3A_14, %max3A_11, %dot_general3A_15 {dimension_numbers = #tpu.dot_dimension_numbers<[1], [0], [0], [1], [0, 0, 1, 1], [], []>, transpose_lhs_hint = false} : vector<1000x64xf32>, vector<64x2048xf32>, vector<1000x2048xf32> -> vector<1000x2048xf32>
    %get3A_17 = arith.constant 0 : index
    %get3A_18 = arith.constant 0 : index
    %get3A_19 = vector.load %arg5[%get3A_17, %get3A_18] : memref<1000x1xf32, #tpu.memory_space<vmem>>, vector<1000x1xf32>
    %add3A_20 = vector.broadcast %get3A_19 : vector<1000x1xf32> to vector<1000x2048xf32>
    %add3A_21 = arith.addf %dot_general3A_16, %add3A_20 : vector<1000x2048xf32>
    %min3A = arith.constant 8.000000e+01 : f32
    %min3A_22 = vector.broadcast %min3A : f32 to vector<1000x2048xf32>
    %min3A_23 = arith.minimumf %add3A_21, %min3A_22 : vector<1000x2048xf32>
    %exp3A = math.exp %min3A_23 : vector<1000x2048xf32>
    %reduce_sum3A = arith.constant dense<0.000000e+00> : vector<2048xf32>
    %reduce_sum3A_24 = vector.multi_reduction <add>, %exp3A, %reduce_sum3A [0] : vector<1000x2048xf32> to vector<2048xf32>
    %broadcast_in_dim3A = vector.shape_cast %reduce_sum3A_24 : vector<2048xf32> to vector<1x2048xf32>
    %log3A = math.log %broadcast_in_dim3A : vector<1x2048xf32>
    %sub3A = vector.broadcast %log3A : vector<1x2048xf32> to vector<1000x2048xf32>
    %sub3A_25 = arith.subf %add3A_21, %sub3A : vector<1000x2048xf32>
    %swap3A = arith.constant 0 : index
    %swap3A_26 = arith.constant 0 : index
    %swap3A_27 = vector.load %arg6[%swap3A, %swap3A_26] : memref<1000x2048xf32, #tpu.memory_space<vmem>>, vector<1000x2048xf32>
    tpu.vector_store %arg6[%swap3A, %swap3A_26], %sub3A_25 {strides = array<i32>} : memref<1000x2048xf32, #tpu.memory_space<vmem>>, vector<1000x2048xf32>,
    return
  }
  func.func @transform_0(%arg0: i32) -> (i32, i32) {
    %c0_i32 = arith.constant 0 : i32
    %c0_i32_0 = arith.constant 0 : i32
    return %arg0, %c0_i32 : i32, i32
  }
  func.func @transform_1(%arg0: i32) -> (i32, i32) {
    %c0_i32 = arith.constant 0 : i32
    %c0_i32_0 = arith.constant 0 : i32
    %c0_i32_1 = arith.constant 0 : i32
    return %c0_i32, %c0_i32_0 : i32, i32
  }
  func.func @transform_2(%arg0: i32) -> (i32, i32) {
    %c0_i32 = arith.constant 0 : i32
    %c0_i32_0 = arith.constant 0 : i32
    %c0_i32_1 = arith.constant 0 : i32
    return %c0_i32, %c0_i32_0 : i32, i32
  }
  func.func @transform_3(%arg0: i32) -> (i32, i32) {
    %c0_i32 = arith.constant 0 : i32
    %c0_i32_0 = arith.constant 0 : i32
    %c0_i32_1 = arith.constant 0 : i32
    return %c0_i32, %c0_i32_0 : i32, i32
  }
  func.func @transform_4(%arg0: i32) -> (i32, i32) {
    %c0_i32 = arith.constant 0 : i32
    %c0_i32_0 = arith.constant 0 : i32
    %c0_i32_1 = arith.constant 0 : i32
    return %c0_i32, %c0_i32_0 : i32, i32
  }
  func.func @transform_5(%arg0: i32) -> (i32, i32) {
    %c0_i32 = arith.constant 0 : i32
    %c0_i32_0 = arith.constant 0 : i32
    return %c0_i32, %arg0 : i32, i32
  }
}

</mosaic_0001>

<sc_bundles>
// kernel: kernel.4.cloned.1.call-start
scs
__scs_entry_jumppad:
0x0: {  	(pc) =	sbr.rel $0x88, $3  }
0x1: {  	(tag) =	ssettag $0x0;
	lr =	simm.s32 $0x1  }
0x2: {  	[smem:$0x3F9B] =	sst lr;
	_ =	strace $0xD0000000  }
0x3: {  	_ = 	snop  }
0x4: {  	_ = 	snop  }
0x5: {  	_ = 	snop  }
0x6: {  	_ = 	snop  }
0x7: {  	_ = 	snop  }
__scs_overlays_trampoline_lowered:
0x8: {  	[smem:$0x3FAA] =	sst s0  }
0x9: {  	[smem:$0x3FAB] =	sst s1  }
0xa: {  	[smem:$0x3FAC] =	sst s2  }
0xb: {  	[smem:$0x3FAD] =	sst s3  }
0xc: {  	[smem:$0x3FAE] =	sst s4  }
0xd: {  	[smem:$0x3FAF] =	sst s5  }
0xe: {  	[smem:$0x3FB0] =	sst s6  }
0xf: {  	[smem:$0x3FB1] =	sst s7  }
0x10: {  	[smem:$0x3FB2] =	sst s8  }
0x11: {  	[smem:$0x3FB3] =	sst s9;
	s0 =	simm.s32 @!p0 $0x0  }
0x12: {  	s1 =	sld [smem:$0x3F99];
	s0 =	simm.s32 @p0 $0x1  }
0x13: {  	[smem:$0x3FB4] =	sst s0;
	s0 =	simm.s32 @!p1 $0x0  }
0x14: {  	s2 =	sld [smem:$0x3F98];
	s0 =	simm.s32 @p1 $0x1  }
0x15: {  	[smem:$0x3FB5] =	sst s0;
	s0 =	simm.s32 @!p2 $0x0  }
0x16: {  	s3 =	sld [smem:$0x3FDB];
	s0 =	simm.s32 @p2 $0x1  }
0x17: {  	s4 =	simm.s32 $0x1BF5;
	[smem:$0x3FB7] =	sst s0  }
0x18: {  	s0 =	sld [smem:$0x3F9A];
	_ =	swait.ge [sflag:s4], $0x0  }
0x19: {  	s7 =	sld [smem:$0x3F9B]  }
0x1a: {  	s8 =	sadd.s32 $0xFFFFE003, lr  }
0x1b: {  	s9 =	sadd.s32 $0xFFFFFEF7, lr;
	s5 =	simm.s32 $0xFFFFFFFF;
	p2 =	slt.u32 s8, $0xFFFFF086  }
0x1c: {  	p1 =	slt.u32 s9, $0xF7A;
	s5 =	simm.s32 @!p2 $0x0  }
0x1d: {  	s5 =	simm.s32 @p1 $0x1;
	p0 =	seq.s32 s7, s2  }
0x1e: {  	s7 =	smul.u32 @!p0 $0xF7A, s2;
	p2 =	seq.s32 @!p0 s5, $0x0  }
0x1f: {  	s9 =	smul.u32 $0xF7A, s1;
	s8 =	simm.s32 @!p0 $0x1BF5;
	p2 =	por !p2, p0  }
0x20: {  	[sflag:s8] =	ssyncset.s32 @!p0 $0xFFFFF086;
	s6 =	sadd.s32 @!p0 s3, s7;
	s7 =	simm.s32 @!p0 $0x108  }
0x21: {  	s3 =	sadd.s32 s3, s9;
	s6 =	sadd.s32 @!p0 $0x88, s6;
	s7 =	simm.s32 @p2 $0x1082  }
0x22: {  	[simem:s7], [sflag:s8] =	dma.local @!p0 [hbm:s6], $0xF7A  }
0x23: {  	s9 =	sor.u32 $0xD0000000, s2;
	s6 =	simm.s32 $0x108;
	_ =	swait.ge @!p0 [sflag:s8], $0x0  }
0x24: {  	s3 =	sadd.s32 $0x88, s3;
	s6 =	simm.s32 @!p1 $0x1082;
	[sflag:s4] =	ssyncset.s32 $0xFFFFF086  }
0x25: {  	[simem:s6], [sflag:s4] =	dma.local [hbm:s3], $0xF7A  }
0x26: {  	[smem:$0x3F9B] =	sst s1;
	(tag) =	ssettag s2;
	_ =	strace s9  }
0x27: {  	s1 =	sld [smem:$0x3FAB]  }
0x28: {  	s2 =	sld [smem:$0x3FAC]  }
0x29: {  	s4 =	sld [smem:$0x3FAE]  }
0x2a: {  	p0 =	seq.s32 s5, $0x0;
	s5 =	sld [smem:$0x3FAF]  }
0x2b: {  	s6 =	sld [smem:$0x3FB0]  }
0x2c: {  	s7 =	sld [smem:$0x3FB1]  }
0x2d: {  	s3 =	simm.s32 $0x108;
	s8 =	sld [smem:$0x3FB2]  }
0x2e: {  	s3 =	simm.s32 @!p0 $0x1082;
	s9 =	sld [smem:$0x3FB3]  }
0x2f: {  	lr =	sadd.s32 s0, s3;
	s0 =	sld [smem:$0x3FAA]  }
0x30: {  	s3 =	sld [smem:$0x3FAD]  }
0x31: {  	[smem:$0x3FB6] =	sst s10  }
0x32: {  	s10 =	sld [smem:$0x3FB4];
	_ =	sdelay $0x3  }
0x33: {  	p0 =	seq.s32 s10, $0x1;
	s10 =	sld [smem:$0x3FB6];
	_ =	sdelay $0x3  }
0x34: {  	[smem:$0x3FB6] =	sst s10  }
0x35: {  	s10 =	sld [smem:$0x3FB5];
	_ =	sdelay $0x3  }
0x36: {  	p1 =	seq.s32 s10, $0x1;
	s10 =	sld [smem:$0x3FB6];
	_ =	sdelay $0x3  }
0x37: {  	[smem:$0x3FB6] =	sst s10  }
0x38: {  	s10 =	sld [smem:$0x3FB7]  }
0x39: {  	_ = 	snop;
	(pc) =	sbr.ind lr, $3  }
0x3a: {  	_ = 	snop  }
0x3b: {  	_ = 	snop  }
0x3c: {  	p2 =	seq.s32 s10, $0x1;
	s10 =	sld [smem:$0x3FB6]  }
0x3d: {  	_ =	shalt  }
0x3e: {  	_ =	shalt  }
0x3f: {  	_ =	shalt  }
0x40: {  	_ =	shalt  }
0x41: {  	_ =	shalt  }
0x42: {  	_ =	shalt  }
0x43: {  	_ =	shalt  }
0x44: {  	_ =	shalt  }
0x45: {  	_ =	shalt  }
0x46: {  	_ =	shalt  }
0x47: {  	_ =	shalt  }
0x48: {  	_ =	shalt  }
0x49: {  	_ =	shalt  }
0x4a: {  	_ =	shalt  }
0x4b: {  	_ =	shalt  }
0x4c: {  	_ =	shalt  }
0x4d: {  	_ =	shalt  }
0x4e: {  	_ =	shalt  }
0x4f: {  	_ =	shalt  }
0x50: {  	_ =	shalt  }
0x51: {  	_ =	shalt  }
0x52: {  	_ =	shalt  }
0x53: {  	_ =	shalt  }
0x54: {  	_ =	shalt  }
0x55: {  	_ =	shalt  }
0x56: {  	_ =	shalt  }
0x57: {  	_ =	shalt  }
0x58: {  	_ =	shalt  }
0x59: {  	_ =	shalt  }
0x5a: {  	_ =	shalt  }
0x5b: {  	_ =	shalt  }
0x5c: {  	_ =	shalt  }
0x5d: {  	_ =	shalt  }
0x5e: {  	_ =	shalt  }
0x5f: {  	_ =	shalt  }
0x60: {  	_ =	shalt  }
0x61: {  	_ =	shalt  }
0x62: {  	_ =	shalt  }
0x63: {  	_ =	shalt  }
0x64: {  	_ =	shalt  }
0x65: {  	_ =	shalt  }
0x66: {  	_ =	shalt  }
0x67: {  	_ =	shalt  }
0x68: {  	_ =	shalt  }
0x69: {  	_ =	shalt  }
0x6a: {  	_ =	shalt  }
0x6b: {  	_ =	shalt  }
0x6c: {  	_ =	shalt  }
0x6d: {  	_ =	shalt  }
0x6e: {  	_ =	shalt  }
0x6f: {  	_ =	shalt  }
0x70: {  	_ =	shalt  }
0x71: {  	_ =	shalt  }
0x72: {  	_ =	shalt  }
0x73: {  	_ =	shalt  }
0x74: {  	_ =	shalt  }
0x75: {  	_ =	shalt  }
0x76: {  	_ =	shalt  }
0x77: {  	_ =	shalt  }
0x78: {  	_ =	shalt  }
0x79: {  	_ =	shalt  }
0x7a: {  	_ =	shalt  }
0x7b: {  	_ =	shalt  }
0x7c: {  	_ =	shalt  }
0x7d: {  	_ =	shalt  }
0x7e: {  	_ =	shalt  }
0x7f: {  	_ =	shalt  }
0x80: {  	_ =	shalt  }
0x81: {  	_ =	shalt  }
0x82: {  	_ =	shalt  }
0x83: {  	_ =	shalt  }
0x84: {  	_ =	shalt  }
0x85: {  	_ =	shalt  }
0x86: {  	_ =	shalt  }
0x87: {  	_ =	shalt  }
.Lfunc_end0:
.L_simem_size_0:
called_computation_lowered:
.L_overlay_start_0:
0x88: {  	s2 =	sld [smem:$0x3FD9]  }
0x89: {  	s3 =	sld [smem:$0x3FFE];
	_ =	sdelay $0x1  }
0x8a: {  	s1 =	srdreg.scid  }
0x8b: {  	s0 =	sand.u32 $0x1, s1  }
0x8c: {  	s17 =	sshll.u32 s0, $0xA;
	s2 =	sadd.s32 s3, s2  }
0x8d: {  	s2 =	sadd.s32 s2, s17  }
0x8e: {  	[smem:$0x3FC2] =	sst s2  }
0x8f: {  	_ = 	snop  }
0x90: {  	s2 =	sld [smem:$0x3FC9]  }
0x91: {  	s18 =	sld [smem:$0x3FD0];
	(tm) =	ssettm $0x1  }
0x92: {  	s4 =	sld [smem:$0x3FFB];
	_ =	sdelay $0x3  }
0x93: {  	_ =	strace s4  }
0x94: {  	s4 =	sld [smem:$0x3FFC];
	_ =	sdelay $0x3  }
0x95: {  	_ =	strace s4  }
0x96: {  	s4 =	sld [smem:$0x3FFD];
	_ =	sdelay $0x3  }
0x97: {  	_ =	strace s4  }
0x98: {  	_ =	strace $0x8FFFFFFF  }
0x99: {  	s19 =	sld [smem:$0x3FDB];
	_ =	sdelay $0x1  }
0x9a: {  	s5 =	simm.s32 $_scs_section_size  }
0x9b: {  	s6 =	simm.s32 $_size__tile_overlayer_lowered;
	s7 =	simm.s32 $_tile_overlayer_lowered  }
0x9c: {  	s22 =	simm.s32 $0x1BFF;
	s21 =	sshll.u32 s7, $0x1;
	s4 =	sadd.s32 s5, s19  }
0x9d: {  	s8 =	simm.s32 $0x0;
	s20 =	sshll.u32 s6, $0x1;
	s6 =	sadd.s32 s21, s4  }
0x9e: {  	[timem:s8], [sflag:s22] =	dma.local [hbm:s6], s20  }
0x9f: {  	_ =	swait.ge [sflag:s22], s20  }
0xa0: {  	s5 =	ssub.s32 $0x0, s20;
	[sflag:s22] =	ssyncset.done $0x0  }
0xa1: {  	[sflag:s22] =	ssyncadd.s32 s5;
	_ =	sdelay $0x1  }
0xa2: {  	s23 =	simm.s32 $0x1B8B  }
0xa3: {  	_ =	swait.ge [sflag:s23], $0x1  }
0xa4: {  	[sflag:s23] =	ssyncset.done $0x0  }
0xa5: {  	s25 =	simm.s32 $0x1B8E;
	s24 =	sld [smem:$0x3FFE];
	[sflag:s23] =	ssyncadd.s32 $0xFFFFFFFF  }
0xa6: {  	s26 =	simm.s32 $execute0_lowered;
	[smem:$0x3FD2] =	sst s25  }
0xa7: {  	s6 =	sshll.u32 s26, $0x1;
	_ =	strace $0x80000046;
	[dreg:$0x1] =	wrdreg $0xFFFFFFFF  }
0xa8: {  	s28 =	simm.s32 $_size_execute0_lowered;
	s4 =	sadd.s32 s4, s6;
	[dreg:$0x0] =	wrdreg $0x0  }
0xa9: {  	s6 =	sshll.u32 s28, $0x1;
	[dreg:$0x2] =	wrdreg s4  }
0xaa: {  	[dreg:$0x3] =	wrdreg s6  }
0xab: {  	[dreg:$0x4] =	wrdreg $0xC0  }
0xac: {  	_ =	task [dreg:s8], $0x5FFFF  }
0xad: {  	[dreg:$0x1] =	wrdreg $0xFFFFFFFF  }
0xae: {  	[dreg:$0x0] =	wrdreg $0x60  }
0xaf: {  	[dreg:$0x2] =	wrdreg s2  }
0xb0: {  	[dreg:$0x3] =	wrdreg s24  }
0xb1: {  	[dreg:$0x4] =	wrdreg s18  }
0xb2: {  	[dreg:$0x5] =	wrdreg $0x9  }
0xb3: {  	_ =	task.clear_ibuf [dreg:s8], $0x6FFFF;
	_ =	strace $0x90000046  }
0xb4: {  	s29 =	simm.s32 $0x9;
	_ =	strace $0x80000048  }
0xb5: {  	_ =	swait.ge [sflag:s29], $0x1  }
0xb6: {  	[sflag:s29] =	ssyncadd.s32 $0xFFFFFFFF  }
0xb7: {  	_ =	strace $0x90000048  }
0xb8: {  	_ =	sfence  }
0xb9: {  	s30 =	sld [smem:$0x0];
	_ =	sdelay $0x2  }
0xba: {  	s31 =	sshll.u32 s1, $0xD;
	s1 =	sshrl.u32 s1, $0x2  }
0xbb: {  	s3 =	sand.u32 $0x4000, s31;
	s1 =	sadd.s32 s1, s30  }
0xbc: {  	s0 =	sor.u32 s3, s0;
	s1 =	sshll.u32 s1, $0x11  }
0xbd: {  	s0 =	sor.u32 s1, s0  }
0xbe: {  	s0 =	sadd.s32 $0x8F2B, s0  }
0xbf: {  	[sflag:s0] =	ssyncadd.remote.s32 $0x1  }
0xc0: {  	_ =	sfence.sel $0xFFFF  }
0xc1: {  	[dreg:$0x0] =	wrdreg $0xFFFFFFFF;
	(pc) =	sbr.abs _section_cstart, $3  }
0xc2: {  	[dreg:$0x1] =	wrdreg $0xFFFFFFFF  }
0xc3: {  	_ =	task.clear_ibuf [dreg:s8], $0x2FFFF;
	_ =	strace $0x9FFFFFFF  }
0xc4: {  	(tm) =	ssettm $0x7FFFFFFF  }
0xc5: {  	_ =	shalt  }
tec
execute0_lowered:
.L_overlay_start_1:
0x0: {  	(tag) =	ssettag $0x1  }
0x1: {  	s4 =	rddreg [dreg:$0x0]  }
0x2: {  	s3 =	rddreg [dreg:$0x1]  }
0x3: {  	s5 =	rddreg [dreg:$0x2]  }
0x4: {  	s0 =	rddreg [dreg:$0x3];
	s2 =	simm.s32 $0x0  }
0x5: {  	s6 =	srdreg.scid;
	s1 =	stileid.u32;
	s10 =	simm.s32 $0x2400  }
0x6: {  	s11 =	simm.s32 $0x100;
	s12 =	simm.s32 $0x4400;
	s13 =	simm.s32 $0x180  }
0x7: {  	s14 =	simm.s32 $0x6400;
	s15 =	simm.s32 $0x200;
	s16 =	simm.s32 $0x8400  }
0x8: {  	s17 =	simm.s32 $0x280;
	s18 =	simm.s32 $0xA400;
	s19 =	simm.s32 $0x300  }
0x9: {  	s20 =	simm.s32 $0xC400;
	s21 =	simm.s32 $0x380;
	s22 =	simm.s32 $0xE400  }
0xa: {  	s23 =	simm.s32 $0x1;
	s24 =	simm.s32 $0x40;
	s25 =	simm.s32 $0x10400  }
0xb: {  	s26 =	simm.s32 $0x0;
	[smem:$0x7FF] =	sst s2;
	s6 =	sand.u32 $0x1, s6  }
0xc: {  	s7 =	sshll.u32 s1, $0x1;
	s3 =	sadd.s32 $0x600, s3;
	s8 =	ssub.s32 $0x2, s6  }
0xd: {  	_ =	strace $0x80000047;
	s6 =	sor.u32 s6, s7;
	s31 =	sshrl.u32 s8, $0x1  }
0xe: {  	s9 =	sshll.u32 s6, $0x7;
	s6 =	sshll.u32 s6, $0xD;
	s7 =	ssub.s32 s8, s31  }
0xf: {  	s4 =	sadd.s32 s4, s9;
	s5 =	sadd.s32 s5, s6;
	s8 =	simm.s32 $0x80  }
0x10: {  	s9 =	simm.s32 $0x400;
	s6 =	smax.u32 s7, $0x1;
	s7 =	simm.s32 $0x2  }
.LBB2_1:
0x11: {  	[tilespmem:s2], [sflag:$0x2] =	stream.linear.gather [hbm4b:s4+s2], $0x400, $0x38;
	[tilespmem:$0x18400] =	vst v63  }
0x12: {  	_ =	swait.ge [sflag:s7], $0x400  }
0x13: {  	[sflag:s7] =	ssyncset.done $0x0  }
0x14: {  	[sflag:s7] =	ssyncadd.s32 $0xFFFFFC00  }
0x15: {  	[tilespmem:s9], [sflag:$0x1] =	stream.indirect.gather [hbm4b:s3+s8], $0x40, s2, s8, $0xb8;
	[tilespmem:$0x18400] =	vst v63  }
0x16: {  	_ = 	snop  }
0x17: {  	[tilespmem:s10], [sflag:$0x1] =	stream.indirect.gather [hbm4b:s3+s8], $0x40, s8, s8, $0xb8;
	[tilespmem:$0x18400] =	vst v63  }
0x18: {  	_ = 	snop  }
0x19: {  	[tilespmem:s12], [sflag:$0x1] =	stream.indirect.gather [hbm4b:s3+s8], $0x40, s11, s8, $0xb8;
	[tilespmem:$0x18400] =	vst v63  }
0x1a: {  	_ = 	snop  }
0x1b: {  	[tilespmem:s14], [sflag:$0x1] =	stream.indirect.gather [hbm4b:s3+s8], $0x40, s13, s8, $0xb8;
	[tilespmem:$0x18400] =	vst v63  }
0x1c: {  	_ = 	snop  }
0x1d: {  	[tilespmem:s16], [sflag:$0x1] =	stream.indirect.gather [hbm4b:s3+s8], $0x40, s15, s8, $0xb8;
	[tilespmem:$0x18400] =	vst v63  }
0x1e: {  	_ = 	snop  }
0x1f: {  	[tilespmem:s18], [sflag:$0x1] =	stream.indirect.gather [hbm4b:s3+s8], $0x40, s17, s8, $0xb8;
	[tilespmem:$0x18400] =	vst v63  }
0x20: {  	_ = 	snop  }
0x21: {  	[tilespmem:s20], [sflag:$0x1] =	stream.indirect.gather [hbm4b:s3+s8], $0x40, s19, s8, $0xb8;
	[tilespmem:$0x18400] =	vst v63  }
0x22: {  	_ = 	snop  }
0x23: {  	[tilespmem:s22], [sflag:$0x1] =	stream.indirect.gather [hbm4b:s3+s8], $0x40, s21, s8, $0xb8;
	[tilespmem:$0x18400] =	vst v63  }
0x24: {  	_ =	swait.ge [sflag:s23], $0x2000  }
0x25: {  	[sflag:s23] =	ssyncset.done $0x0  }
0x26: {  	[sflag:s23] =	ssyncadd.s32 $0xFFFFE000  }
0x27: {  	_ =	swait.ge [sflag:s23], $0x2000  }
0x28: {  	[sflag:s23] =	ssyncset.done $0x0  }
0x29: {  	[sflag:s23] =	ssyncadd.s32 $0xFFFFE000  }
0x2a: {  	_ =	swait.ge [sflag:s23], $0x2000  }
0x2b: {  	[sflag:s23] =	ssyncset.done $0x0  }
0x2c: {  	[sflag:s23] =	ssyncadd.s32 $0xFFFFE000  }
0x2d: {  	_ =	swait.ge [sflag:s23], $0x2000  }
0x2e: {  	[sflag:s23] =	ssyncset.done $0x0  }
0x2f: {  	[sflag:s23] =	ssyncadd.s32 $0xFFFFE000  }
0x30: {  	_ =	swait.ge [sflag:s23], $0x2000  }
0x31: {  	[sflag:s23] =	ssyncset.done $0x0  }
0x32: {  	[sflag:s23] =	ssyncadd.s32 $0xFFFFE000  }
0x33: {  	_ =	swait.ge [sflag:s23], $0x2000  }
0x34: {  	[sflag:s23] =	ssyncset.done $0x0  }
0x35: {  	[sflag:s23] =	ssyncadd.s32 $0xFFFFE000  }
0x36: {  	_ =	swait.ge [sflag:s23], $0x2000  }
0x37: {  	[sflag:s23] =	ssyncset.done $0x0  }
0x38: {  	[sflag:s23] =	ssyncadd.s32 $0xFFFFE000  }
0x39: {  	_ =	swait.ge [sflag:s23], $0x2000  }
0x3a: {  	[sflag:s23] =	ssyncset.done $0x0  }
0x3b: {  	s28 =	simm.s32 $0x0;
	[sflag:s23] =	ssyncadd.s32 $0xFFFFE000  }
0x3c: {  	v2 =	vld [tilespmem:s28+$0x430]  }
0x3d: {  	v4 =	vld [tilespmem:s28+$0x2430]  }
0x3e: {  	v5 =	vld [tilespmem:s28+$0x400]  }
0x3f: {  	v6 =	vld [tilespmem:s28+$0x2400]  }
0x40: {  	v1 =	vld [tilespmem:s28+$0x410]  }
0x41: {  	v3 =	vld [tilespmem:s28+$0x2410]  }
0x42: {  	v0 =	vld [tilespmem:s28+$0x420];
	v7 =	vadd.f32 v4, v2  }
0x43: {  	s29 =	simm.s32 $0x40;
	v4 =	vld [tilespmem:s28+$0x2420]  }
0x44: {  	s30 =	simm.s32 $0x200;
	v2 =	vld [tilespmem:s29+$0x430];
	v5 =	vadd.f32 v6, v5;
	[tilespmem:s28+$0x10430] =	vst v7  }
.LBB2_2:
0x45: {  	p0 =	sne.s32 s30, $0x7F00;
	v6 =	vld [tilespmem:s29+$0x2430]  }
0x46: {  	v7 =	vld [tilespmem:s29+$0x400];
	[tilespmem:s28+$0x10400] =	vst v5;
	v3 =	vadd.f32 v3, v1  }
0x47: {  	v5 =	vld [tilespmem:s29+$0x2400]  }
.Ltmp0:
0x48: {  	v1 =	vld [tilespmem:s29+$0x410];
	[tilespmem:s28+$0x10410] =	vst v3;
	v4 =	vadd.f32 v4, v0;
	(pc) =	sbr.rel @p0 .LBB2_2-.Ltmp0, $4  }
0x49: {  	v3 =	vld [tilespmem:s29+$0x2410]  }
0x4a: {  	v0 =	vld [tilespmem:s29+$0x420];
	v6 =	vadd.f32 v6, v2;
	[tilespmem:s28+$0x10420] =	vst v4;
	s28 =	smov.u32 s29  }
0x4b: {  	s29 =	sshra.s32 s30, $0x2;
	v4 =	vld [tilespmem:s28+$0x2420]  }
0x4c: {  	s30 =	sadd.s32 $0x100, s30;
	v2 =	vld [tilespmem:s29+$0x430];
	v5 =	vadd.f32 v5, v7;
	[tilespmem:s28+$0x10430] =	vst v6  }
0x4d: {  	v6 =	vld [tilespmem:s29+$0x2430]  }
0x4e: {  	v7 =	vld [tilespmem:s29+$0x400];
	[tilespmem:s28+$0x10400] =	vst v5;
	v1 =	vadd.f32 v3, v1  }
0x4f: {  	v3 =	vld [tilespmem:s29+$0x2400]  }
0x50: {  	v5 =	vld [tilespmem:s29+$0x410];
	[tilespmem:s28+$0x10410] =	vst v1;
	v0 =	vadd.f32 v4, v0  }
0x51: {  	v1 =	vld [tilespmem:s29+$0x2410]  }
0x52: {  	v63 =	vld [tilespmem:s29+$0x420];
	[tilespmem:s28+$0x10420] =	vst v0  }
0x53: {  	v0 =	vld [tilespmem:s29+$0x2420];
	_ =	sdelay $0x1  }
0x54: {  	v2 =	vadd.f32 v6, v2  }
0x55: {  	p1 =	por $0x1, $0x1;
	v3 =	vadd.f32 v3, v7  }
.Ltmp1:
0x56: {  	[tilespmem:s29+$0x10430] =	vst v2;
	v1 =	vadd.f32 v1, v5;
	(pc) =	sbr.rel @!p1 .LBB2_4-.Ltmp1, $4  }
0x57: {  	[tilespmem:s29+$0x10400] =	vst v3;
	v0 =	vadd.f32 v0, v63  }
0x58: {  	[tilespmem:s29+$0x10410] =	vst v1  }
0x59: {  	s28 =	simm.s32 $0x0;
	[tilespmem:s29+$0x10420] =	vst v0  }
0x5a: {  	p0 =	por $0x0, $0x0;
	v0 =	vld [tilespmem:s28+$0x4430]  }
0x5b: {  	v4 =	vld [tilespmem:s28+$0x6430]  }
0x5c: {  	v5 =	vld [tilespmem:s28+$0x4400]  }
0x5d: {  	v6 =	vld [tilespmem:s28+$0x6400];
	p3 =	por $0x1, $0x1  }
.Ltmp2:
0x5e: {  	v1 =	vld [tilespmem:s28+$0x4410];
	(pc) =	sbr.rel @!p3 .LBB2_6-.Ltmp2, $4  }
0x5f: {  	v3 =	vld [tilespmem:s28+$0x6410]  }
0x60: {  	v2 =	vld [tilespmem:s28+$0x4420];
	v7 =	vadd.f32 v4, v0  }
0x61: {  	s29 =	simm.s32 $0x40;
	v4 =	vld [tilespmem:s28+$0x6420]  }
0x62: {  	s31 =	simm.s32 $0x200;
	p2 =	por $0x1, $0x1;
	s30 =	simm.s32 $0x0;
	v0 =	vld [tilespmem:s29+$0x4430];
	v5 =	vadd.f32 v6, v5;
	[tilespmem:s28+$0x12430] =	vst v7  }
.LBB2_7:
0x63: {  	p3 =	sne.s32 s31, $0x7F00;
	v6 =	vld [tilespmem:s29+$0x6430]  }
0x64: {  	v7 =	vld [tilespmem:s29+$0x4400];
	[tilespmem:s30+$0x12400] =	vst v5;
	v3 =	vadd.f32 v3, v1  }
0x65: {  	v5 =	vld [tilespmem:s29+$0x6400]  }
.Ltmp3:
0x66: {  	v1 =	vld [tilespmem:s29+$0x4410];
	[tilespmem:s30+$0x12410] =	vst v3;
	v4 =	vadd.f32 v4, v2;
	(pc) =	sbr.rel @p3 .LBB2_7-.Ltmp3, $4  }
0x67: {  	v3 =	vld [tilespmem:s29+$0x6410]  }
0x68: {  	v2 =	vld [tilespmem:s29+$0x4420];
	v6 =	vadd.f32 v6, v0;
	[tilespmem:s30+$0x12420] =	vst v4;
	s30 =	smov.u32 s29  }
0x69: {  	s29 =	sshra.s32 s31, $0x2;
	v4 =	vld [tilespmem:s30+$0x6420]  }
0x6a: {  	s31 =	sadd.s32 $0x100, s31;
	v0 =	vld [tilespmem:s29+$0x4430];
	v5 =	vadd.f32 v5, v7;
	[tilespmem:s30+$0x12430] =	vst v6  }
.LBB2_8:
0x6b: {  	v6 =	vld [tilespmem:s29+$0x6430]  }
0x6c: {  	v7 =	vld [tilespmem:s29+$0x4400];
	[tilespmem:s30+$0x12400] =	vst @p2 v5;
	v1 =	vadd.f32 @p2 v3, v1  }
0x6d: {  	v3 =	vld [tilespmem:s29+$0x6400]  }
0x6e: {  	v5 =	vld [tilespmem:s29+$0x4410];
	[tilespmem:s30+$0x12410] =	vst @p2 v1;
	v1 =	vadd.f32 @p2 v4, v2  }
0x6f: {  	v2 =	vld [tilespmem:s29+$0x6410]  }
0x70: {  	v63 =	vld [tilespmem:s29+$0x4420];
	[tilespmem:s30+$0x12420] =	vst @p2 v1  }
0x71: {  	v1 =	vld [tilespmem:s29+$0x6420];
	_ =	sdelay $0x1  }
0x72: {  	v0 =	vadd.f32 v6, v0  }
0x73: {  	v3 =	vadd.f32 v3, v7  }
.Ltmp4:
0x74: {  	[tilespmem:s29+$0x12430] =	vst v0;
	v0 =	vadd.f32 v2, v5;
	(pc) =	sbr.rel @!p1 .LBB2_9-.Ltmp4, $4  }
0x75: {  	[tilespmem:s29+$0x12400] =	vst v3;
	v1 =	vadd.f32 v1, v63  }
0x76: {  	[tilespmem:s29+$0x12410] =	vst v0  }
0x77: {  	[tilespmem:s29+$0x12420] =	vst v1  }
0x78: {  	v0 =	vld [tilespmem:s28+$0x8430]  }
0x79: {  	v4 =	vld [tilespmem:s28+$0xA430]  }
0x7a: {  	v5 =	vld [tilespmem:s28+$0x8400]  }
0x7b: {  	v6 =	vld [tilespmem:s28+$0xA400];
	p1 =	por $0x1, $0x1  }
.Ltmp5:
0x7c: {  	v1 =	vld [tilespmem:s28+$0x8410];
	(pc) =	sbr.rel @!p1 .LBB2_12-.Ltmp5, $4  }
0x7d: {  	v3 =	vld [tilespmem:s28+$0xA410]  }
0x7e: {  	v2 =	vld [tilespmem:s28+$0x8420];
	v7 =	vadd.f32 v4, v0  }
0x7f: {  	s29 =	simm.s32 $0x40;
	v4 =	vld [tilespmem:s28+$0xA420]  }
0x80: {  	s30 =	simm.s32 $0x200;
	p0 =	por $0x1, $0x1;
	v0 =	vld [tilespmem:s29+$0x8430];
	v5 =	vadd.f32 v6, v5;
	[tilespmem:s28+$0x14430] =	vst v7  }
.LBB2_11:
0x81: {  	p1 =	sne.s32 s30, $0x7F00;
	v6 =	vld [tilespmem:s29+$0xA430]  }
0x82: {  	v7 =	vld [tilespmem:s29+$0x8400];
	[tilespmem:s28+$0x14400] =	vst v5;
	v3 =	vadd.f32 v3, v1  }
0x83: {  	v5 =	vld [tilespmem:s29+$0xA400]  }
.Ltmp6:
0x84: {  	v1 =	vld [tilespmem:s29+$0x8410];
	[tilespmem:s28+$0x14410] =	vst v3;
	v4 =	vadd.f32 v4, v2;
	(pc) =	sbr.rel @p1 .LBB2_11-.Ltmp6, $4  }
0x85: {  	v3 =	vld [tilespmem:s29+$0xA410]  }
0x86: {  	v2 =	vld [tilespmem:s29+$0x8420];
	v6 =	vadd.f32 v6, v0;
	[tilespmem:s28+$0x14420] =	vst v4;
	s28 =	smov.u32 s29  }
0x87: {  	s29 =	sshra.s32 s30, $0x2;
	v4 =	vld [tilespmem:s28+$0xA420]  }
0x88: {  	s30 =	sadd.s32 $0x100, s30;
	v0 =	vld [tilespmem:s29+$0x8430];
	v5 =	vadd.f32 v5, v7;
	[tilespmem:s28+$0x14430] =	vst v6  }
.LBB2_12:
0x89: {  	v6 =	vld [tilespmem:s29+$0xA430]  }
0x8a: {  	v7 =	vld [tilespmem:s29+$0x8400];
	[tilespmem:s28+$0x14400] =	vst @p0 v5;
	v1 =	vadd.f32 @p0 v3, v1  }
0x8b: {  	v3 =	vld [tilespmem:s29+$0xA400]  }
0x8c: {  	v5 =	vld [tilespmem:s29+$0x8410];
	[tilespmem:s28+$0x14410] =	vst @p0 v1;
	v1 =	vadd.f32 @p0 v4, v2  }
0x8d: {  	v2 =	vld [tilespmem:s29+$0xA410]  }
0x8e: {  	v4 =	vld [tilespmem:s29+$0x8420];
	[tilespmem:s28+$0x14420] =	vst @p0 v1  }
0x8f: {  	v1 =	vld [tilespmem:s29+$0xA420];
	_ =	sdelay $0x1  }
0x90: {  	v0 =	vadd.f32 v6, v0  }
0x91: {  	v3 =	vadd.f32 v3, v7  }
0x92: {  	[tilespmem:s29+$0x14430] =	vst v0;
	v0 =	vadd.f32 v2, v5  }
0x93: {  	[tilespmem:s29+$0x14400] =	vst v3;
	v1 =	vadd.f32 v1, v4  }
0x94: {  	[tilespmem:s29+$0x14410] =	vst v0  }
0x95: {  	s28 =	simm.s32 $0x0;
	[tilespmem:s29+$0x14420] =	vst v1  }
0x96: {  	v2 =	vld [tilespmem:s28+$0xC430]  }
0x97: {  	v4 =	vld [tilespmem:s28+$0xE430]  }
0x98: {  	v5 =	vld [tilespmem:s28+$0xC400]  }
0x99: {  	v6 =	vld [tilespmem:s28+$0xE400]  }
0x9a: {  	v1 =	vld [tilespmem:s28+$0xC410]  }
0x9b: {  	v3 =	vld [tilespmem:s28+$0xE410]  }
0x9c: {  	v0 =	vld [tilespmem:s28+$0xC420];
	v7 =	vadd.f32 v4, v2  }
0x9d: {  	s29 =	simm.s32 $0x40;
	v4 =	vld [tilespmem:s28+$0xE420]  }
0x9e: {  	s30 =	simm.s32 $0x200;
	v2 =	vld [tilespmem:s29+$0xC430];
	v5 =	vadd.f32 v6, v5;
	[tilespmem:s28+$0x16430] =	vst v7  }
.LBB2_13:
0x9f: {  	p0 =	sne.s32 s30, $0x7F00;
	v6 =	vld [tilespmem:s29+$0xE430]  }
0xa0: {  	v7 =	vld [tilespmem:s29+$0xC400];
	[tilespmem:s28+$0x16400] =	vst v5;
	v3 =	vadd.f32 v3, v1  }
0xa1: {  	v5 =	vld [tilespmem:s29+$0xE400]  }
.Ltmp7:
0xa2: {  	v1 =	vld [tilespmem:s29+$0xC410];
	[tilespmem:s28+$0x16410] =	vst v3;
	v4 =	vadd.f32 v4, v0;
	(pc) =	sbr.rel @p0 .LBB2_13-.Ltmp7, $4  }
0xa3: {  	v3 =	vld [tilespmem:s29+$0xE410]  }
0xa4: {  	v0 =	vld [tilespmem:s29+$0xC420];
	v6 =	vadd.f32 v6, v2;
	[tilespmem:s28+$0x16420] =	vst v4;
	s28 =	smov.u32 s29  }
0xa5: {  	s29 =	sshra.s32 s30, $0x2;
	v4 =	vld [tilespmem:s28+$0xE420]  }
0xa6: {  	s30 =	sadd.s32 $0x100, s30;
	v2 =	vld [tilespmem:s29+$0xC430];
	v5 =	vadd.f32 v5, v7;
	[tilespmem:s28+$0x16430] =	vst v6  }
0xa7: {  	v6 =	vld [tilespmem:s29+$0xE430]  }
0xa8: {  	v7 =	vld [tilespmem:s29+$0xC400];
	[tilespmem:s28+$0x16400] =	vst v5;
	v1 =	vadd.f32 v3, v1  }
0xa9: {  	v62 =	vld [tilespmem:s29+$0xE400]  }
0xaa: {  	v5 =	vld [tilespmem:s29+$0xC410];
	[tilespmem:s28+$0x16410] =	vst v1;
	v0 =	vadd.f32 v4, v0  }
0xab: {  	v1 =	vld [tilespmem:s29+$0xE410]  }
0xac: {  	v63 =	vld [tilespmem:s29+$0xC420];
	[tilespmem:s28+$0x16420] =	vst v0  }
0xad: {  	v0 =	vld [tilespmem:s29+$0xE420];
	_ =	sdelay $0x1  }
0xae: {  	v2 =	vadd.f32 v6, v2  }
0xaf: {  	v3 =	vadd.f32 v62, v7  }
0xb0: {  	[tilespmem:s29+$0x16430] =	vst v2;
	v1 =	vadd.f32 v1, v5  }
0xb1: {  	[tilespmem:s29+$0x16400] =	vst v3;
	v0 =	vadd.f32 v0, v63  }
0xb2: {  	s26 =	sadd.s32 $0x1, s26;
	[tilespmem:s29+$0x16410] =	vst v1  }
0xb3: {  	p0 =	sne.s32 s26, s6;
	[tilespmem:s29+$0x16420] =	vst v0  }
0xb4: {  	[hbm4b:s5+s24] =	stream.strided.scatter [tilespmem:s25], [sflag:$0x2], $0x8000, s8, s24, $0x38;
	[tilespmem:$0x18400] =	vst v63  }
.Ltmp8:
0xb5: {  	_ = 	snop;
	(pc) =	sbr.rel @p0 .LBB2_1-.Ltmp8, $4  }
.Ltmp9:
0xb6: {  	_ = 	snop;
	(pc) =	sbr.rel @!p0 .LBB2_15-.Ltmp9, $4  }
0xb7: {  	_ =	swait.ge [sflag:s7], $0x8000  }
0xb8: {  	[sflag:s7] =	ssyncset.done $0x0  }
0xb9: {  	[sflag:s7] =	ssyncadd.s32 $0xFFFF8000  }
0xba: {  	_ = 	snop  }
.LBB2_4:
.Ltmp10:
0xbb: {  	(pc) =	sbr.rel .LBB2_8-.Ltmp10, $2  }
0xbc: {  	_ =	sdelay $0x2  }
0xbd: {  	s29 =	simm.s32 $0x0;
	p2 =	por $0x0, $0x0  }
.LBB2_9:
.Ltmp11:
0xbe: {  	(pc) =	sbr.rel .LBB2_12-.Ltmp11, $2  }
0xbf: {  	_ =	sdelay $0x2  }
0xc0: {  	s29 =	simm.s32 $0x0  }
.LBB2_6:
.Ltmp12:
0xc1: {  	(pc) =	sbr.rel .LBB2_8-.Ltmp12, $2  }
0xc2: {  	_ =	sdelay $0x2  }
0xc3: {  	s30 =	simm.s32 $0x0  }
.LBB2_15:
0xc4: {  	_ =	sfence.sel $0x180000  }
0xc5: {  	[bflag:$0x0] =	sbarrier.arrive $0xFFFF  }
0xc6: {  	p0 =	sne.s32 s1, $0x0;
	_ =	strace $0x90000047  }
0xc7: {  	s0 =	sadd.s32 @!p0 $0x100000, s0;
	[bflag:$0x2] =	sbarrier.arrive $0xFFFF  }
0xc8: {  	[sflag:s0] =	ssyncadd.tile.s32 @!p0 $0x1;
	_ =	shalt  }
.Lfunc_end2:
_tile_overlayer_lowered:
.L_overlay_start_2:
0xc9: {  	(tag) =	ssettag $0x2  }
0xca: {  	s0 =	rddreg [dreg:$0x0];
	s2 =	stileid.u32  }
0xcb: {  	s1 =	rddreg [dreg:$0x1];
	p0 =	sne.s32 s2, $0x0  }
0xcc: {  	s3 =	rddreg [dreg:$0x2];
	[bflag:$0x3] =	sbarrier.arrive $0xFFFF;
	s2 =	simm.s32 @!p0 $0x1C02  }
0xcd: {  	[timem:s3], [sflag:s2] =	dma.local @!p0 [hbm:s0], s1  }
0xce: {  	s0 =	simm.s32 @!p0 $0x2  }
0xcf: {  	_ =	swait.ge @!p0 [sflag:s0], s1  }
0xd0: {  	s1 =	ssub.s32 @!p0 $0x0, s1;
	[sflag:s0] =	ssyncset.done @!p0 $0x0  }
0xd1: {  	[sflag:s0] =	ssyncadd.s32 @!p0 s1  }
0xd2: {  	[bflag:$0x3] =	sbarrier.arrive $0xFFFF  }
0xd3: {  	_ =	shalt  }

</sc_bundles>
